<compile_context>
chip_gen: v7x
topology: tpu7x:2x2x1
jax: 0.10.2.dev20260603
libtpu: 0.0.44.dev20260713+nightly
codegen_flags: <defaults>
</compile_context>

<pallas_src>
import functools

import jax
import jax.numpy as jnp
from jax import lax
from jax.experimental import pallas as pl
from jax.experimental.pallas import tpu as pltpu
from jax.experimental.pallas import tpu_sc as plsc

T, D, FF, E, DOUT, TOP_K_ = 2048, 2048, 4096, 8, 9, 2
LP = 128
RB = 256
NRB = T // RB
BT = 128
NB = T // BT
NT = NB + E
FFB = 2048
NFF = FF // FFB
NEG_PAD = -1.0e30
NEG_MASK = -3.0e38
_XCH = 16
_NCH = (T // 32) // _XCH


def _route_body(x_ref, gw_ref, gb_ref, pos_ref, off_ref, loss_ref,
                oh_ref, r_ref, acc_ref):
    s = pl.program_id(0)

    @pl.when(s == 0)
    def _():
        acc_ref[...] = jnp.zeros_like(acc_ref)

    @pl.when(s < NRB)
    def _():
        x = x_ref[...]
        logits = jnp.dot(x, gw_ref[...],
                         preferred_element_type=jnp.float32) + gb_ref[...]
        lane = lax.broadcasted_iota(jnp.int32, (RB, LP), 1).astype(jnp.float32)
        m1 = jnp.max(logits, axis=1, keepdims=True)
        idx1 = jnp.min(jnp.where(logits == m1, lane, 1e9), axis=1,
                       keepdims=True)
        logits2 = jnp.where(lane == idx1, NEG_MASK, logits)
        m2 = jnp.max(logits2, axis=1, keepdims=True)
        idx2 = jnp.min(jnp.where(logits2 == m2, lane, 1e9), axis=1,
                       keepdims=True)
        estar = jnp.maximum(idx1, idx2)
        oh = (lane == estar).astype(jnp.float32)

        ri = lax.broadcasted_iota(jnp.int32, (RB, RB), 0)
        ci = lax.broadcasted_iota(jnp.int32, (RB, RB), 1)
        ltri = (ri >= ci).astype(jnp.float32)
        csum = jnp.dot(ltri, oh, preferred_element_type=jnp.float32)
        csum = csum + acc_ref[0:1, :]
        oh_ref[pl.ds(s * RB, RB), :] = oh
        r_ref[pl.ds(s * RB, RB), :] = oh * (csum - 1.0)

        se = jnp.exp(logits - m1)
        ssum = jnp.sum(se, axis=1, keepdims=True)
        lse = m1 + jnp.log(ssum)
        probs = se / ssum
        oh1 = (lane == idx1).astype(jnp.float32)
        acc_ref[0:1, :] = acc_ref[0:1, :] + jnp.sum(oh, axis=0, keepdims=True)
        acc_ref[1:2, :] = acc_ref[1:2, :] + jnp.sum(lse * lse)
        acc_ref[2:3, :] = acc_ref[2:3, :] + jnp.sum(probs, axis=0,
                                                    keepdims=True)
        acc_ref[3:4, :] = acc_ref[3:4, :] + jnp.sum(oh1, axis=0,
                                                    keepdims=True)

    @pl.when(s == NRB)
    def _():
        cnt = acc_ref[0:1, :]
        li = lax.broadcasted_iota(jnp.int32, (LP, LP), 0)
        lj = lax.broadcasted_iota(jnp.int32, (LP, LP), 1)
        stri = (li < lj).astype(jnp.float32)
        offe = jnp.dot(cnt, stri, preferred_element_type=jnp.float32,
                       precision=jax.lax.Precision.HIGHEST)
        posl = r_ref[...] + oh_ref[...] * offe
        pos = jnp.sum(posl, axis=1, keepdims=True)
        pos_ref[...] = jnp.broadcast_to(pos, (T, LP)).astype(jnp.int32)
        off_ref[...] = jnp.broadcast_to(offe, (8, LP)).astype(jnp.int32)
        lz = acc_ref[1:2, :] * jnp.float32(1.0 / T)
        lb = jnp.sum(acc_ref[3:4, :] * acc_ref[2:3, :], axis=1,
                     keepdims=True) * jnp.float32(0.01 * E / (T * float(T)))
        loss_ref[...] = jnp.concatenate(
            [lz, jnp.broadcast_to(lb, (1, LP)),
             jnp.zeros((6, LP), jnp.float32)], axis=0)


_route_call = pl.pallas_call(
    _route_body,
    grid=(NRB + 1,),
    in_specs=[
        pl.BlockSpec((RB, D), lambda s: (jnp.minimum(s, NRB - 1), 0)),
        pl.BlockSpec((D, LP), lambda s: (0, 0)),
        pl.BlockSpec((1, LP), lambda s: (0, 0)),
    ],
    out_specs=[
        pl.BlockSpec((T, LP), lambda s: (0, 0)),
        pl.BlockSpec((8, LP), lambda s: (0, 0)),
        pl.BlockSpec((8, LP), lambda s: (0, 0)),
    ],
    out_shape=[
        jax.ShapeDtypeStruct((T, LP), jnp.int32),
        jax.ShapeDtypeStruct((8, LP), jnp.int32),
        jax.ShapeDtypeStruct((8, LP), jnp.float32),
    ],
    scratch_shapes=[
        pltpu.VMEM((T, LP), jnp.float32),
        pltpu.VMEM((T, LP), jnp.float32),
        pltpu.VMEM((8, LP), jnp.float32),
    ],
    compiler_params=pltpu.CompilerParams(
        dimension_semantics=("arbitrary",)),
)


DEPTH = 2
NSTEP = NFF * NT


def _ffn_body(sched_ref, ftab_ref, xs_ref, w1_any, w2_ref, b1_ref, b2_ref,
              out_ref, ring_ref, sems):
    j = pl.program_id(0)
    i = pl.program_id(1)
    k = j * NT + i

    def _fetch(f, slot):
        e_f = ftab_ref[0, f]
        j_f = ftab_ref[1, f]
        return pltpu.make_async_copy(
            w1_any.at[e_f, :, pl.ds(j_f * FFB, FFB)],
            ring_ref.at[slot], sems.at[slot])

    @pl.when(k == 0)
    def _():
        out_ref[...] = jnp.zeros_like(out_ref)
        for d in range(DEPTH):
            _fetch(d, d).start()

    iss = sched_ref[6, k]

    @pl.when(iss >= 0)
    def _():
        _fetch(iss, sched_ref[7, k]).start()

    slot = sched_ref[4, k]

    @pl.when(sched_ref[5, k] == 1)
    def _():
        _fetch(sched_ref[8, k], slot).wait()

    lo = sched_ref[2, i]
    hi = sched_ref[3, i]

    @pl.when(lo < hi)
    def _():
        st = pl.multiple_of(sched_ref[1, i], 8)
        x = xs_ref[pl.ds(st, BT), :]
        w1b = ring_ref[slot]
        h = jnp.maximum(
            jnp.dot(x, w1b, preferred_element_type=jnp.float32)
            + b1_ref[0, 0], 0.0)
        part = jnp.dot(h, w2_ref[0], preferred_element_type=jnp.float32)
        b2row = jnp.where(j == 0, 1.0, 0.0) * b2_ref[0]
        part = part + b2row
        row = st + lax.broadcasted_iota(jnp.int32, (BT, LP), 0)
        act = (row >= lo) & (row < hi)
        out_ref[pl.ds(st, BT), :] += jnp.where(act, part, 0.0)


_ffn_call = pl.pallas_call(
    _ffn_body,
    grid_spec=pltpu.PrefetchScalarGridSpec(
        num_scalar_prefetch=2,
        grid=(NFF, NT),
        in_specs=[
            pl.BlockSpec((T, D), lambda j, i, s, f: (0, 0)),
            pl.BlockSpec(memory_space=pl.ANY),
            pl.BlockSpec((1, FFB, LP), lambda j, i, s, f: (s[0, i], j, 0)),
            pl.BlockSpec((1, 1, 1, FFB), lambda j, i, s, f: (s[0, i], j, 0, 0)),
            pl.BlockSpec((1, 1, LP), lambda j, i, s, f: (s[0, i], 0, 0)),
        ],
        out_specs=pl.BlockSpec((T, LP), lambda j, i, s, f: (0, 0)),
        scratch_shapes=[
            pltpu.VMEM((DEPTH, D, FFB), jnp.float32),
            pltpu.SemaphoreType.DMA((DEPTH,)),
        ],
    ),
    out_shape=jax.ShapeDtypeStruct((T, LP), jnp.float32),
    compiler_params=pltpu.CompilerParams(
        dimension_semantics=("arbitrary", "arbitrary"),
        vmem_limit_bytes=100 * 1024 * 1024),
)


@functools.lru_cache(maxsize=None)
def _sc_kernels():
    mesh = plsc.VectorSubcoreMesh(core_axis_name="c", subcore_axis_name="s")

    gx = functools.partial(
        pl.kernel, mesh=mesh,
        out_type=jax.ShapeDtypeStruct((T, D), jnp.float32),
        scratch_types=[
            pltpu.VMEM((_XCH,), jnp.int32),
            pltpu.VMEM((_XCH,), jnp.int32),
            pltpu.VMEM((_XCH, D), jnp.float32),
            pltpu.VMEM((_XCH, D), jnp.float32),
            pltpu.SemaphoreType.DMA,
            pltpu.SemaphoreType.DMA,
        ])(_scatter_x_body)
    go = functools.partial(
        pl.kernel, mesh=mesh,
        out_type=jax.ShapeDtypeStruct((T, LP), jnp.float32),
        scratch_types=[
            pltpu.VMEM((T // 32,), jnp.int32),
            pltpu.VMEM((T // 32, LP), jnp.float32),
            pltpu.SemaphoreType.DMA,
        ])(_gather_out_body)
    return gx, go


def _scatter_x_body(x_hbm, pos_hbm, xs_hbm, idx16a, idx16b,
                    buf0, buf1, sem0, sem1):
    c = lax.axis_index("c")
    s = lax.axis_index("s")
    wid = s * 2 + c
    npw = T // 32
    base = wid * npw
    bufs = (buf0, buf1)
    idxs = (idx16a, idx16b)
    sems = (sem0, sem1)
    for ch in range(_NCH):
        pltpu.sync_copy(pos_hbm.at[pl.ds(base + ch * _XCH, _XCH)],
                        idxs[ch % 2])
        pltpu.async_copy(x_hbm.at[pl.ds(base + ch * _XCH, _XCH)],
                         bufs[ch % 2], sems[ch % 2]).wait()
        pltpu.async_copy(bufs[ch % 2], xs_hbm.at[idxs[ch % 2]],
                         sems[ch % 2]).wait()


def _gather_out_body(osort_hbm, pos_hbm, res_hbm, idx_v, buf, sem):
    c = lax.axis_index("c")
    s = lax.axis_index("s")
    wid = s * 2 + c
    npw = T // 32
    base = wid * npw
    pltpu.sync_copy(pos_hbm.at[pl.ds(base, npw)], idx_v)
    pltpu.async_copy(osort_hbm.at[idx_v], buf, sem).wait()
    pltpu.sync_copy(buf, res_hbm.at[pl.ds(base, npw)])


def kernel(inputs, gate_W, gate_b, W1, b1, W2, b2):
    inputs = inputs.astype(jnp.float32)
    gwp = jnp.pad(gate_W.astype(jnp.float32), ((0, 0), (0, LP - E)))
    gbp = jnp.pad(gate_b.astype(jnp.float32), (0, LP - E),
                  constant_values=NEG_PAD).reshape(1, LP)

    pos2d, off2d, loss2d = _route_call(inputs, gwp, gbp)
    pos = pos2d[:, 0]
    off9 = jnp.concatenate(
        [off2d[0, :E], jnp.array([T], jnp.int32)])

    cnts = off9[1:] - off9[:E]
    start8 = (off9[:E] // 8) * 8
    nt_e = jnp.where(cnts > 0, (off9[1:] - start8 + BT - 1) // BT, 0)
    cumt = jnp.concatenate([jnp.zeros(1, jnp.int32),
                            jnp.cumsum(nt_e)]).astype(jnp.int32)
    tidx = jnp.arange(NT, dtype=jnp.int32)
    e_i = jnp.clip(jnp.searchsorted(cumt, tidx, side="right") - 1,
                   0, E - 1).astype(jnp.int32)
    k_e = tidx - cumt[e_i]
    start_u = start8[e_i] + k_e * BT
    valid = tidx < cumt[E]
    lo = jnp.where(valid, jnp.maximum(off9[e_i], start_u), 0)
    hi = jnp.where(valid, jnp.minimum(off9[e_i + 1], start_u + BT), 0)
    b_i = jnp.where(valid, jnp.clip(start_u, 0, T - BT), 0)

    m0 = jnp.concatenate([jnp.ones(1, jnp.bool_), e_i[1:] != e_i[:-1]])
    run_id = jnp.cumsum(m0.astype(jnp.int32)) - 1
    m = run_id[NT - 1] + 1
    nftot = NFF * m
    run_e = jnp.zeros(NT, jnp.int32).at[run_id].set(e_i)
    farange = jnp.arange(NSTEP, dtype=jnp.int32)
    fe = run_e[jnp.clip(farange % jnp.maximum(m, 1), 0, NT - 1)]
    jf = jnp.clip(farange // jnp.maximum(m, 1), 0, NFF - 1)
    ftab = jnp.stack([fe, jf]).astype(jnp.int32)

    kk = farange
    ii = kk % NT
    fi = (kk // NT) * m + run_id[ii]
    first = jnp.concatenate(
        [jnp.ones(1, jnp.int32), (fi[1:] != fi[:-1]).astype(jnp.int32)])
    issf = jnp.where((kk > 0) & (first == 1) & (fi + DEPTH - 1 < nftot),
                     fi + DEPTH - 1, -1)
    isslot = jnp.where(issf >= 0, issf % DEPTH, 0)
    sched = (jnp.zeros((9, NSTEP), jnp.int32)
             .at[0, :NT].set(e_i).at[1, :NT].set(b_i)
             .at[2, :NT].set(lo).at[3, :NT].set(hi)
             .at[4].set(fi % DEPTH).at[5].set(first)
             .at[6].set(issf).at[7].set(isslot).at[8].set(fi))

    scatter_x, gather_out = _sc_kernels()
    xs = scatter_x(inputs, pos)

    w2p = jnp.pad(W2.astype(jnp.float32), ((0, 0), (0, 0), (0, LP - DOUT)))
    b2p = jnp.pad(b2.astype(jnp.float32),
                  ((0, 0), (0, LP - DOUT))).reshape(E, 1, LP)
    b1r = b1.astype(jnp.float32).reshape(E, NFF, 1, FFB)
    osort = _ffn_call(sched, ftab, xs, W1.astype(jnp.float32), w2p, b1r, b2p)

    res = gather_out(osort, pos)
    results = res[:, :DOUT]
    return results, loss2d[0, 0], loss2d[1, 0]

# --- scband reference (transcript-rebuilt; emitter-appended) ---
"""Pipeline reference for scband-moe-layer-29291676959122 (READ-ONLY COPY).

The authoritative reference and input builder live on the scoring server;
editing this copy changes nothing except your own understanding.
"""

import jax, jax.numpy as jnp
import numpy as np

T, D, FF, E, DOUT, TOP_K = 2048, 2048, 4096, 8, 9, 2


def z_loss(logits):
    log_sum_exp = jax.nn.logsumexp(logits, axis=1)
    sq_log_sum_exp = log_sum_exp ** 2
    return jnp.mean(sq_log_sum_exp)


def b_loss(logits, alpha=0.01):
    Tn, N = logits.shape
    probs = jax.nn.softmax(logits, axis=1)
    argmax_experts = jnp.argmax(probs, axis=1)
    f = jnp.mean(jax.nn.one_hot(argmax_experts, N, dtype=jnp.float32), axis=0)
    P = jnp.mean(probs, axis=0)
    return alpha * N * jnp.sum(f * P)


def setup_inputs(seed: int = 0) -> dict:
    key = jax.random.key(seed)
    ks = jax.random.split(key, 6)
    inputs = jax.random.normal(ks[0], (T, D), dtype=jnp.float32)
    gate_W = jax.random.normal(ks[1], (D, E), dtype=jnp.float32) * 0.02
    gate_b = jnp.zeros((E,), dtype=jnp.float32)
    W1 = jax.random.normal(ks[2], (E, D, FF), dtype=jnp.float32) * 0.02
    b1 = jnp.zeros((E, FF), dtype=jnp.float32)
    W2 = jax.random.normal(ks[3], (E, FF, DOUT), dtype=jnp.float32) * 0.02
    b2 = jnp.zeros((E, DOUT), dtype=jnp.float32)
    return {"inputs": inputs, "gate_W": gate_W, "gate_b": gate_b, "W1": W1, "b1": b1, "W2": W2, "b2": b2}


def reference(inputs, gate_W, gate_b, W1, b1, W2, b2):
    gate_logits = inputs @ gate_W + gate_b
    loss_z = z_loss(gate_logits)
    loss_b = b_loss(gate_logits)
    weights, selected_experts = jax.lax.top_k(gate_logits, TOP_K)
    weights = jax.nn.softmax(weights.astype(jnp.float32), axis=1).astype(inputs.dtype)
    results = jnp.zeros((inputs.shape[0], DOUT), dtype=inputs.dtype)
    for e in range(E):
        token_mask = jnp.any(selected_experts == e, axis=1)
        h = jnp.maximum(inputs @ W1[e] + b1[e], 0.0)
        out = h @ W2[e] + b2[e]
        results = jnp.where(token_mask[:, None], out, results)
    return (results, loss_z, loss_b)

if __name__ == "__main__":
    import jax
    _d = setup_inputs()
    print(jax.jit(kernel)(*tuple(_d.values())))

</pallas_src>

<mosaic_0001>
#map = affine_map<(d0, d1) -> (0, 0)>
#map1 = affine_map<(d0, d1) -> (0)>
module attributes {stable_mosaic.version = 14 : i64} {
  func.func @_gather_out_body(%arg0: i32, %arg1: i32, %arg2: memref<2048x128xf32, #tpu.memory_space<hbm>>, %arg3: memref<2048xi32, #tpu.memory_space<hbm>>, %arg4: memref<2048x128xf32, #tpu.memory_space<hbm>>, %arg5: memref<64xi32, #tpu.memory_space<vmem>>, %arg6: memref<64x128xf32, #tpu.memory_space<vmem>>, %arg7: memref<!tpu.dma_semaphore, #tpu.memory_space<semaphore_mem>>) attributes {dimension_semantics = [#tpu.dimension_semantics<core_parallel>, #tpu.dimension_semantics<subcore_parallel>], iteration_bounds = array<i64: 2, 16>, scalar_prefetch = 0 : i64, scratch_operands = 3 : i64, tpu.core_type = #tpu.core_type<sc_vector_subcore>, window_params = [{transform_indices = #map}, {transform_indices = #map1}, {transform_indices = #map}]} {
    %mul3A = arith.constant 2 : i32
    %mul3A_0 = arith.muli %arg1, %mul3A : i32
    %add3A = arith.addi %mul3A_0, %arg0 : i32
    %mul3A_1 = arith.constant 64 : i32
    %mul3A_2 = arith.muli %add3A, %mul3A_1 : i32
    "tpu.region"() ({
      %run_scoped3A = tpu.sem_alloc : memref<!tpu.dma_semaphore, #tpu.memory_space<semaphore_mem>>
      %dma_start3A_7 = tpu.memref_slice %arg3[%mul3A_2] : memref<2048xi32, #tpu.memory_space<hbm>> -> memref<64xi32, #tpu.memory_space<hbm>>
      %dma_start3A_8 = tpu.memref_slice %arg3[%mul3A_2] : memref<2048xi32, #tpu.memory_space<hbm>> -> memref<64xi32, #tpu.memory_space<hbm>>
      tpu.enqueue_dma source(%dma_start3A_8 : memref<64xi32, #tpu.memory_space<hbm>>) target(%arg5 : memref<64xi32, #tpu.memory_space<vmem>>) target_semaphore(%run_scoped3A : memref<!tpu.dma_semaphore, #tpu.memory_space<semaphore_mem>>)
      %dma_wait3A_9 = tpu.memref_slice %arg3[%mul3A_2] : memref<2048xi32, #tpu.memory_space<hbm>> -> memref<64xi32, #tpu.memory_space<hbm>>
      %dma_wait3A_10 = tpu.memref_slice %arg3[%mul3A_2] : memref<2048xi32, #tpu.memory_space<hbm>> -> memref<64xi32, #tpu.memory_space<hbm>>
      tpu.wait_dma2 semaphore(%run_scoped3A : memref<!tpu.dma_semaphore, #tpu.memory_space<semaphore_mem>>) src(%dma_wait3A_10 : memref<64xi32, #tpu.memory_space<hbm>>) dst(%arg5 : memref<64xi32, #tpu.memory_space<vmem>>)
      tpu.yield
    }) : () -> ()
    %dma_start3A = arith.constant 0 : i32
    %dma_start3A_3 = arith.constant 0 : i32
    %dma_start3A_4 = tpu.memref_slice %arg2[%dma_start3A, %dma_start3A_3] : memref<2048x128xf32, #tpu.memory_space<hbm>> -> memref<2048x128xf32, #tpu.memory_space<hbm>>
    tpu.enqueue_indirect_dma source(%dma_start3A_4 : memref<2048x128xf32, #tpu.memory_space<hbm>>) target(%arg6 : memref<64x128xf32, #tpu.memory_space<vmem>>) offsets(%arg5 : memref<64xi32, #tpu.memory_space<vmem>>) semaphore(%arg7 : memref<!tpu.dma_semaphore, #tpu.memory_space<semaphore_mem>>)
    %dma_wait3A = arith.constant 0 : i32
    %dma_wait3A_5 = arith.constant 0 : i32
    %dma_wait3A_6 = tpu.memref_slice %arg2[%dma_wait3A, %dma_wait3A_5] : memref<2048x128xf32, #tpu.memory_space<hbm>> -> memref<2048x128xf32, #tpu.memory_space<hbm>>
    tpu.wait_indirect_dma semaphore(%arg7 : memref<!tpu.dma_semaphore, #tpu.memory_space<semaphore_mem>>) src(%dma_wait3A_6 : memref<2048x128xf32, #tpu.memory_space<hbm>>) dst(%arg6 : memref<64x128xf32, #tpu.memory_space<vmem>>)
    "tpu.region"() ({
      %run_scoped3A = tpu.sem_alloc : memref<!tpu.dma_semaphore, #tpu.memory_space<semaphore_mem>>
      %dma_start3A_7 = arith.constant 0 : i32
      %dma_start3A_8 = tpu.memref_slice %arg4[%mul3A_2, %dma_start3A_7] : memref<2048x128xf32, #tpu.memory_space<hbm>> -> memref<64x128xf32, #tpu.memory_space<hbm>>
      %dma_start3A_9 = arith.constant 0 : i32
      %dma_start3A_10 = tpu.memref_slice %arg4[%mul3A_2, %dma_start3A_9] : memref<2048x128xf32, #tpu.memory_space<hbm>> -> memref<64x128xf32, #tpu.memory_space<hbm>>
      tpu.enqueue_dma source(%arg6 : memref<64x128xf32, #tpu.memory_space<vmem>>) target(%dma_start3A_10 : memref<64x128xf32, #tpu.memory_space<hbm>>) target_semaphore(%run_scoped3A : memref<!tpu.dma_semaphore, #tpu.memory_space<semaphore_mem>>)
      %dma_wait3A_11 = arith.constant 0 : i32
      %dma_wait3A_12 = tpu.memref_slice %arg4[%mul3A_2, %dma_wait3A_11] : memref<2048x128xf32, #tpu.memory_space<hbm>> -> memref<64x128xf32, #tpu.memory_space<hbm>>
      %dma_wait3A_13 = arith.constant 0 : i32
      %dma_wait3A_14 = tpu.memref_slice %arg4[%mul3A_2, %dma_wait3A_13] : memref<2048x128xf32, #tpu.memory_space<hbm>> -> memref<64x128xf32, #tpu.memory_space<hbm>>
      tpu.wait_dma2 semaphore(%run_scoped3A : memref<!tpu.dma_semaphore, #tpu.memory_space<semaphore_mem>>) src(%arg6 : memref<64x128xf32, #tpu.memory_space<vmem>>) dst(%dma_wait3A_14 : memref<64x128xf32, #tpu.memory_space<hbm>>)
      tpu.yield
    }) : () -> ()
    return
  }
}

#map = affine_map<(d0, d1) -> (0, 0)>
#map1 = affine_map<(d0, d1) -> (0)>
module attributes {stable_mosaic.version = 14 : i64} {
  func.func @_scatter_x_body(%arg0: i32, %arg1: i32, %arg2: memref<2048x2048xf32, #tpu.memory_space<hbm>>, %arg3: memref<2048xi32, #tpu.memory_space<hbm>>, %arg4: memref<2048x2048xf32, #tpu.memory_space<hbm>>, %arg5: memref<16xi32, #tpu.memory_space<vmem>>, %arg6: memref<16xi32, #tpu.memory_space<vmem>>, %arg7: memref<16x2048xf32, #tpu.memory_space<vmem>>, %arg8: memref<16x2048xf32, #tpu.memory_space<vmem>>, %arg9: memref<!tpu.dma_semaphore, #tpu.memory_space<semaphore_mem>>, %arg10: memref<!tpu.dma_semaphore, #tpu.memory_space<semaphore_mem>>) attributes {dimension_semantics = [#tpu.dimension_semantics<core_parallel>, #tpu.dimension_semantics<subcore_parallel>], iteration_bounds = array<i64: 2, 16>, scalar_prefetch = 0 : i64, scratch_operands = 6 : i64, tpu.core_type = #tpu.core_type<sc_vector_subcore>, window_params = [{transform_indices = #map}, {transform_indices = #map1}, {transform_indices = #map}]} {
    %mul3A = arith.constant 2 : i32
    %mul3A_0 = arith.muli %arg1, %mul3A : i32
    %add3A = arith.addi %mul3A_0, %arg0 : i32
    %mul3A_1 = arith.constant 64 : i32
    %mul3A_2 = arith.muli %add3A, %mul3A_1 : i32
    %add3A_3 = arith.constant 0 : i32
    %add3A_4 = arith.addi %mul3A_2, %add3A_3 : i32
    "tpu.region"() ({
      %run_scoped3A = tpu.sem_alloc : memref<!tpu.dma_semaphore, #tpu.memory_space<semaphore_mem>>
      %dma_start3A_73 = tpu.memref_slice %arg3[%add3A_4] : memref<2048xi32, #tpu.memory_space<hbm>> -> memref<16xi32, #tpu.memory_space<hbm>>
      %dma_start3A_74 = tpu.memref_slice %arg3[%add3A_4] : memref<2048xi32, #tpu.memory_space<hbm>> -> memref<16xi32, #tpu.memory_space<hbm>>
      tpu.enqueue_dma source(%dma_start3A_74 : memref<16xi32, #tpu.memory_space<hbm>>) target(%arg5 : memref<16xi32, #tpu.memory_space<vmem>>) target_semaphore(%run_scoped3A : memref<!tpu.dma_semaphore, #tpu.memory_space<semaphore_mem>>)
      %dma_wait3A_75 = tpu.memref_slice %arg3[%add3A_4] : memref<2048xi32, #tpu.memory_space<hbm>> -> memref<16xi32, #tpu.memory_space<hbm>>
      %dma_wait3A_76 = tpu.memref_slice %arg3[%add3A_4] : memref<2048xi32, #tpu.memory_space<hbm>> -> memref<16xi32, #tpu.memory_space<hbm>>
      tpu.wait_dma2 semaphore(%run_scoped3A : memref<!tpu.dma_semaphore, #tpu.memory_space<semaphore_mem>>) src(%dma_wait3A_76 : memref<16xi32, #tpu.memory_space<hbm>>) dst(%arg5 : memref<16xi32, #tpu.memory_space<vmem>>)
      tpu.yield
    }) : () -> ()
    %add3A_5 = arith.constant 0 : i32
    %add3A_6 = arith.addi %mul3A_2, %add3A_5 : i32
    %dma_start3A = arith.constant 0 : i32
    %dma_start3A_7 = tpu.memref_slice %arg2[%add3A_6, %dma_start3A] : memref<2048x2048xf32, #tpu.memory_space<hbm>> -> memref<16x2048xf32, #tpu.memory_space<hbm>>
    %dma_start3A_8 = arith.constant 0 : i32
    %dma_start3A_9 = tpu.memref_slice %arg2[%add3A_6, %dma_start3A_8] : memref<2048x2048xf32, #tpu.memory_space<hbm>> -> memref<16x2048xf32, #tpu.memory_space<hbm>>
    tpu.enqueue_dma source(%dma_start3A_9 : memref<16x2048xf32, #tpu.memory_space<hbm>>) target(%arg7 : memref<16x2048xf32, #tpu.memory_space<vmem>>) target_semaphore(%arg9 : memref<!tpu.dma_semaphore, #tpu.memory_space<semaphore_mem>>)
    %dma_wait3A = arith.constant 0 : i32
    %dma_wait3A_10 = tpu.memref_slice %arg2[%add3A_6, %dma_wait3A] : memref<2048x2048xf32, #tpu.memory_space<hbm>> -> memref<16x2048xf32, #tpu.memory_space<hbm>>
    %dma_wait3A_11 = arith.constant 0 : i32
    %dma_wait3A_12 = tpu.memref_slice %arg2[%add3A_6, %dma_wait3A_11] : memref<2048x2048xf32, #tpu.memory_space<hbm>> -> memref<16x2048xf32, #tpu.memory_space<hbm>>
    tpu.wait_dma2 semaphore(%arg9 : memref<!tpu.dma_semaphore, #tpu.memory_space<semaphore_mem>>) src(%dma_wait3A_12 : memref<16x2048xf32, #tpu.memory_space<hbm>>) dst(%arg7 : memref<16x2048xf32, #tpu.memory_space<vmem>>)
    %dma_start3A_13 = arith.constant 0 : i32
    %dma_start3A_14 = arith.constant 0 : i32
    %dma_start3A_15 = tpu.memref_slice %arg4[%dma_start3A_13, %dma_start3A_14] : memref<2048x2048xf32, #tpu.memory_space<hbm>> -> memref<2048x2048xf32, #tpu.memory_space<hbm>>
    tpu.enqueue_indirect_dma source(%arg7 : memref<16x2048xf32, #tpu.memory_space<vmem>>) target(%dma_start3A_15 : memref<2048x2048xf32, #tpu.memory_space<hbm>>) offsets(%arg5 : memref<16xi32, #tpu.memory_space<vmem>>) semaphore(%arg9 : memref<!tpu.dma_semaphore, #tpu.memory_space<semaphore_mem>>)
    %dma_wait3A_16 = arith.constant 0 : i32
    %dma_wait3A_17 = arith.constant 0 : i32
    %dma_wait3A_18 = tpu.memref_slice %arg4[%dma_wait3A_16, %dma_wait3A_17] : memref<2048x2048xf32, #tpu.memory_space<hbm>> -> memref<2048x2048xf32, #tpu.memory_space<hbm>>
    tpu.wait_indirect_dma semaphore(%arg9 : memref<!tpu.dma_semaphore, #tpu.memory_space<semaphore_mem>>) src(%arg7 : memref<16x2048xf32, #tpu.memory_space<vmem>>) dst(%dma_wait3A_18 : memref<2048x2048xf32, #tpu.memory_space<hbm>>)
    %add3A_19 = arith.constant 16 : i32
    %add3A_20 = arith.addi %mul3A_2, %add3A_19 : i32
    "tpu.region"() ({
      %run_scoped3A = tpu.sem_alloc : memref<!tpu.dma_semaphore, #tpu.memory_space<semaphore_mem>>
      %dma_start3A_73 = tpu.memref_slice %arg3[%add3A_20] : memref<2048xi32, #tpu.memory_space<hbm>> -> memref<16xi32, #tpu.memory_space<hbm>>
      %dma_start3A_74 = tpu.memref_slice %arg3[%add3A_20] : memref<2048xi32, #tpu.memory_space<hbm>> -> memref<16xi32, #tpu.memory_space<hbm>>
      tpu.enqueue_dma source(%dma_start3A_74 : memref<16xi32, #tpu.memory_space<hbm>>) target(%arg6 : memref<16xi32, #tpu.memory_space<vmem>>) target_semaphore(%run_scoped3A : memref<!tpu.dma_semaphore, #tpu.memory_space<semaphore_mem>>)
      %dma_wait3A_75 = tpu.memref_slice %arg3[%add3A_20] : memref<2048xi32, #tpu.memory_space<hbm>> -> memref<16xi32, #tpu.memory_space<hbm>>
      %dma_wait3A_76 = tpu.memref_slice %arg3[%add3A_20] : memref<2048xi32, #tpu.memory_space<hbm>> -> memref<16xi32, #tpu.memory_space<hbm>>
      tpu.wait_dma2 semaphore(%run_scoped3A : memref<!tpu.dma_semaphore, #tpu.memory_space<semaphore_mem>>) src(%dma_wait3A_76 : memref<16xi32, #tpu.memory_space<hbm>>) dst(%arg6 : memref<16xi32, #tpu.memory_space<vmem>>)
      tpu.yield
    }) : () -> ()
    %add3A_21 = arith.constant 16 : i32
    %add3A_22 = arith.addi %mul3A_2, %add3A_21 : i32
    %dma_start3A_23 = arith.constant 0 : i32
    %dma_start3A_24 = tpu.memref_slice %arg2[%add3A_22, %dma_start3A_23] : memref<2048x2048xf32, #tpu.memory_space<hbm>> -> memref<16x2048xf32, #tpu.memory_space<hbm>>
    %dma_start3A_25 = arith.constant 0 : i32
    %dma_start3A_26 = tpu.memref_slice %arg2[%add3A_22, %dma_start3A_25] : memref<2048x2048xf32, #tpu.memory_space<hbm>> -> memref<16x2048xf32, #tpu.memory_space<hbm>>
    tpu.enqueue_dma source(%dma_start3A_26 : memref<16x2048xf32, #tpu.memory_space<hbm>>) target(%arg8 : memref<16x2048xf32, #tpu.memory_space<vmem>>) target_semaphore(%arg10 : memref<!tpu.dma_semaphore, #tpu.memory_space<semaphore_mem>>)
    %dma_wait3A_27 = arith.constant 0 : i32
    %dma_wait3A_28 = tpu.memref_slice %arg2[%add3A_22, %dma_wait3A_27] : memref<2048x2048xf32, #tpu.memory_space<hbm>> -> memref<16x2048xf32, #tpu.memory_space<hbm>>
    %dma_wait3A_29 = arith.constant 0 : i32
    %dma_wait3A_30 = tpu.memref_slice %arg2[%add3A_22, %dma_wait3A_29] : memref<2048x2048xf32, #tpu.memory_space<hbm>> -> memref<16x2048xf32, #tpu.memory_space<hbm>>
    tpu.wait_dma2 semaphore(%arg10 : memref<!tpu.dma_semaphore, #tpu.memory_space<semaphore_mem>>) src(%dma_wait3A_30 : memref<16x2048xf32, #tpu.memory_space<hbm>>) dst(%arg8 : memref<16x2048xf32, #tpu.memory_space<vmem>>)
    %dma_start3A_31 = arith.constant 0 : i32
    %dma_start3A_32 = arith.constant 0 : i32
    %dma_start3A_33 = tpu.memref_slice %arg4[%dma_start3A_31, %dma_start3A_32] : memref<2048x2048xf32, #tpu.memory_space<hbm>> -> memref<2048x2048xf32, #tpu.memory_space<hbm>>
    tpu.enqueue_indirect_dma source(%arg8 : memref<16x2048xf32, #tpu.memory_space<vmem>>) target(%dma_start3A_33 : memref<2048x2048xf32, #tpu.memory_space<hbm>>) offsets(%arg6 : memref<16xi32, #tpu.memory_space<vmem>>) semaphore(%arg10 : memref<!tpu.dma_semaphore, #tpu.memory_space<semaphore_mem>>)
    %dma_wait3A_34 = arith.constant 0 : i32
    %dma_wait3A_35 = arith.constant 0 : i32
    %dma_wait3A_36 = tpu.memref_slice %arg4[%dma_wait3A_34, %dma_wait3A_35] : memref<2048x2048xf32, #tpu.memory_space<hbm>> -> memref<2048x2048xf32, #tpu.memory_space<hbm>>
    tpu.wait_indirect_dma semaphore(%arg10 : memref<!tpu.dma_semaphore, #tpu.memory_space<semaphore_mem>>) src(%arg8 : memref<16x2048xf32, #tpu.memory_space<vmem>>) dst(%dma_wait3A_36 : memref<2048x2048xf32, #tpu.memory_space<hbm>>)
    %add3A_37 = arith.constant 32 : i32
    %add3A_38 = arith.addi %mul3A_2, %add3A_37 : i32
    "tpu.region"() ({
      %run_scoped3A = tpu.sem_alloc : memref<!tpu.dma_semaphore, #tpu.memory_space<semaphore_mem>>
      %dma_start3A_73 = tpu.memref_slice %arg3[%add3A_38] : memref<2048xi32, #tpu.memory_space<hbm>> -> memref<16xi32, #tpu.memory_space<hbm>>
      %dma_start3A_74 = tpu.memref_slice %arg3[%add3A_38] : memref<2048xi32, #tpu.memory_space<hbm>> -> memref<16xi32, #tpu.memory_space<hbm>>
      tpu.enqueue_dma source(%dma_start3A_74 : memref<16xi32, #tpu.memory_space<hbm>>) target(%arg5 : memref<16xi32, #tpu.memory_space<vmem>>) target_semaphore(%run_scoped3A : memref<!tpu.dma_semaphore, #tpu.memory_space<semaphore_mem>>)
      %dma_wait3A_75 = tpu.memref_slice %arg3[%add3A_38] : memref<2048xi32, #tpu.memory_space<hbm>> -> memref<16xi32, #tpu.memory_space<hbm>>
      %dma_wait3A_76 = tpu.memref_slice %arg3[%add3A_38] : memref<2048xi32, #tpu.memory_space<hbm>> -> memref<16xi32, #tpu.memory_space<hbm>>
      tpu.wait_dma2 semaphore(%run_scoped3A : memref<!tpu.dma_semaphore, #tpu.memory_space<semaphore_mem>>) src(%dma_wait3A_76 : memref<16xi32, #tpu.memory_space<hbm>>) dst(%arg5 : memref<16xi32, #tpu.memory_space<vmem>>)
      tpu.yield
    }) : () -> ()
    %add3A_39 = arith.constant 32 : i32
    %add3A_40 = arith.addi %mul3A_2, %add3A_39 : i32
    %dma_start3A_41 = arith.constant 0 : i32
    %dma_start3A_42 = tpu.memref_slice %arg2[%add3A_40, %dma_start3A_41] : memref<2048x2048xf32, #tpu.memory_space<hbm>> -> memref<16x2048xf32, #tpu.memory_space<hbm>>
    %dma_start3A_43 = arith.constant 0 : i32
    %dma_start3A_44 = tpu.memref_slice %arg2[%add3A_40, %dma_start3A_43] : memref<2048x2048xf32, #tpu.memory_space<hbm>> -> memref<16x2048xf32, #tpu.memory_space<hbm>>
    tpu.enqueue_dma source(%dma_start3A_44 : memref<16x2048xf32, #tpu.memory_space<hbm>>) target(%arg7 : memref<16x2048xf32, #tpu.memory_space<vmem>>) target_semaphore(%arg9 : memref<!tpu.dma_semaphore, #tpu.memory_space<semaphore_mem>>)
    %dma_wait3A_45 = arith.constant 0 : i32
    %dma_wait3A_46 = tpu.memref_slice %arg2[%add3A_40, %dma_wait3A_45] : memref<2048x2048xf32, #tpu.memory_space<hbm>> -> memref<16x2048xf32, #tpu.memory_space<hbm>>
    %dma_wait3A_47 = arith.constant 0 : i32
    %dma_wait3A_48 = tpu.memref_slice %arg2[%add3A_40, %dma_wait3A_47] : memref<2048x2048xf32, #tpu.memory_space<hbm>> -> memref<16x2048xf32, #tpu.memory_space<hbm>>
    tpu.wait_dma2 semaphore(%arg9 : memref<!tpu.dma_semaphore, #tpu.memory_space<semaphore_mem>>) src(%dma_wait3A_48 : memref<16x2048xf32, #tpu.memory_space<hbm>>) dst(%arg7 : memref<16x2048xf32, #tpu.memory_space<vmem>>)
    %dma_start3A_49 = arith.constant 0 : i32
    %dma_start3A_50 = arith.constant 0 : i32
    %dma_start3A_51 = tpu.memref_slice %arg4[%dma_start3A_49, %dma_start3A_50] : memref<2048x2048xf32, #tpu.memory_space<hbm>> -> memref<2048x2048xf32, #tpu.memory_space<hbm>>
    tpu.enqueue_indirect_dma source(%arg7 : memref<16x2048xf32, #tpu.memory_space<vmem>>) target(%dma_start3A_51 : memref<2048x2048xf32, #tpu.memory_space<hbm>>) offsets(%arg5 : memref<16xi32, #tpu.memory_space<vmem>>) semaphore(%arg9 : memref<!tpu.dma_semaphore, #tpu.memory_space<semaphore_mem>>)
    %dma_wait3A_52 = arith.constant 0 : i32
    %dma_wait3A_53 = arith.constant 0 : i32
    %dma_wait3A_54 = tpu.memref_slice %arg4[%dma_wait3A_52, %dma_wait3A_53] : memref<2048x2048xf32, #tpu.memory_space<hbm>> -> memref<2048x2048xf32, #tpu.memory_space<hbm>>
    tpu.wait_indirect_dma semaphore(%arg9 : memref<!tpu.dma_semaphore, #tpu.memory_space<semaphore_mem>>) src(%arg7 : memref<16x2048xf32, #tpu.memory_space<vmem>>) dst(%dma_wait3A_54 : memref<2048x2048xf32, #tpu.memory_space<hbm>>)
    %add3A_55 = arith.constant 48 : i32
    %add3A_56 = arith.addi %mul3A_2, %add3A_55 : i32
    "tpu.region"() ({
      %run_scoped3A = tpu.sem_alloc : memref<!tpu.dma_semaphore, #tpu.memory_space<semaphore_mem>>
      %dma_start3A_73 = tpu.memref_slice %arg3[%add3A_56] : memref<2048xi32, #tpu.memory_space<hbm>> -> memref<16xi32, #tpu.memory_space<hbm>>
      %dma_start3A_74 = tpu.memref_slice %arg3[%add3A_56] : memref<2048xi32, #tpu.memory_space<hbm>> -> memref<16xi32, #tpu.memory_space<hbm>>
      tpu.enqueue_dma source(%dma_start3A_74 : memref<16xi32, #tpu.memory_space<hbm>>) target(%arg6 : memref<16xi32, #tpu.memory_space<vmem>>) target_semaphore(%run_scoped3A : memref<!tpu.dma_semaphore, #tpu.memory_space<semaphore_mem>>)
      %dma_wait3A_75 = tpu.memref_slice %arg3[%add3A_56] : memref<2048xi32, #tpu.memory_space<hbm>> -> memref<16xi32, #tpu.memory_space<hbm>>
      %dma_wait3A_76 = tpu.memref_slice %arg3[%add3A_56] : memref<2048xi32, #tpu.memory_space<hbm>> -> memref<16xi32, #tpu.memory_space<hbm>>
      tpu.wait_dma2 semaphore(%run_scoped3A : memref<!tpu.dma_semaphore, #tpu.memory_space<semaphore_mem>>) src(%dma_wait3A_76 : memref<16xi32, #tpu.memory_space<hbm>>) dst(%arg6 : memref<16xi32, #tpu.memory_space<vmem>>)
      tpu.yield
    }) : () -> ()
    %add3A_57 = arith.constant 48 : i32
    %add3A_58 = arith.addi %mul3A_2, %add3A_57 : i32
    %dma_start3A_59 = arith.constant 0 : i32
    %dma_start3A_60 = tpu.memref_slice %arg2[%add3A_58, %dma_start3A_59] : memref<2048x2048xf32, #tpu.memory_space<hbm>> -> memref<16x2048xf32, #tpu.memory_space<hbm>>
    %dma_start3A_61 = arith.constant 0 : i32
    %dma_start3A_62 = tpu.memref_slice %arg2[%add3A_58, %dma_start3A_61] : memref<2048x2048xf32, #tpu.memory_space<hbm>> -> memref<16x2048xf32, #tpu.memory_space<hbm>>
    tpu.enqueue_dma source(%dma_start3A_62 : memref<16x2048xf32, #tpu.memory_space<hbm>>) target(%arg8 : memref<16x2048xf32, #tpu.memory_space<vmem>>) target_semaphore(%arg10 : memref<!tpu.dma_semaphore, #tpu.memory_space<semaphore_mem>>)
    %dma_wait3A_63 = arith.constant 0 : i32
    %dma_wait3A_64 = tpu.memref_slice %arg2[%add3A_58, %dma_wait3A_63] : memref<2048x2048xf32, #tpu.memory_space<hbm>> -> memref<16x2048xf32, #tpu.memory_space<hbm>>
    %dma_wait3A_65 = arith.constant 0 : i32
    %dma_wait3A_66 = tpu.memref_slice %arg2[%add3A_58, %dma_wait3A_65] : memref<2048x2048xf32, #tpu.memory_space<hbm>> -> memref<16x2048xf32, #tpu.memory_space<hbm>>
    tpu.wait_dma2 semaphore(%arg10 : memref<!tpu.dma_semaphore, #tpu.memory_space<semaphore_mem>>) src(%dma_wait3A_66 : memref<16x2048xf32, #tpu.memory_space<hbm>>) dst(%arg8 : memref<16x2048xf32, #tpu.memory_space<vmem>>)
    %dma_start3A_67 = arith.constant 0 : i32
    %dma_start3A_68 = arith.constant 0 : i32
    %dma_start3A_69 = tpu.memref_slice %arg4[%dma_start3A_67, %dma_start3A_68] : memref<2048x2048xf32, #tpu.memory_space<hbm>> -> memref<2048x2048xf32, #tpu.memory_space<hbm>>
    tpu.enqueue_indirect_dma source(%arg8 : memref<16x2048xf32, #tpu.memory_space<vmem>>) target(%dma_start3A_69 : memref<2048x2048xf32, #tpu.memory_space<hbm>>) offsets(%arg6 : memref<16xi32, #tpu.memory_space<vmem>>) semaphore(%arg10 : memref<!tpu.dma_semaphore, #tpu.memory_space<semaphore_mem>>)
    %dma_wait3A_70 = arith.constant 0 : i32
    %dma_wait3A_71 = arith.constant 0 : i32
    %dma_wait3A_72 = tpu.memref_slice %arg4[%dma_wait3A_70, %dma_wait3A_71] : memref<2048x2048xf32, #tpu.memory_space<hbm>> -> memref<2048x2048xf32, #tpu.memory_space<hbm>>
    tpu.wait_indirect_dma semaphore(%arg10 : memref<!tpu.dma_semaphore, #tpu.memory_space<semaphore_mem>>) src(%arg8 : memref<16x2048xf32, #tpu.memory_space<vmem>>) dst(%dma_wait3A_72 : memref<2048x2048xf32, #tpu.memory_space<hbm>>)
    return
  }
}

module attributes {stable_mosaic.version = 14 : i64} {
  func.func @_route_body(%arg0: i32, %arg1: memref<256x2048xf32, #tpu.memory_space<vmem>>, %arg2: memref<2048x128xf32, #tpu.memory_space<vmem>>, %arg3: memref<1x128xf32, #tpu.memory_space<vmem>>, %arg4: memref<2048x128xi32, #tpu.memory_space<vmem>>, %arg5: memref<8x128xi32, #tpu.memory_space<vmem>>, %arg6: memref<8x128xf32, #tpu.memory_space<vmem>>, %arg7: memref<2048x128xf32, #tpu.memory_space<vmem>>, %arg8: memref<2048x128xf32, #tpu.memory_space<vmem>>, %arg9: memref<8x128xf32, #tpu.memory_space<vmem>>) attributes {dimension_semantics = [#tpu.dimension_semantics<arbitrary>], iteration_bounds = array<i64: 9>, scalar_prefetch = 0 : i64, scratch_operands = 3 : i64, tpu.core_type = #tpu.core_type<tc>, window_params = [{transform_indices = @transform_0, window_bounds = array<i64: 256, 2048>}, {pipeline_mode = #tpu.pipeline_mode<synchronous>, transform_indices = @transform_1, window_bounds = array<i64: 2048, 128>}, {pipeline_mode = #tpu.pipeline_mode<synchronous>, transform_indices = @transform_2, window_bounds = array<i64: 1, 128>}, {pipeline_mode = #tpu.pipeline_mode<synchronous>, transform_indices = @transform_3, window_bounds = array<i64: 2048, 128>}, {pipeline_mode = #tpu.pipeline_mode<synchronous>, transform_indices = @transform_4, window_bounds = array<i64: 8, 128>}, {pipeline_mode = #tpu.pipeline_mode<synchronous>, transform_indices = @transform_5, window_bounds = array<i64: 8, 128>}]} {
    %eq3A = arith.constant 0 : i32
    %eq3A_0 = arith.cmpi eq, %arg0, %eq3A : i32
    %convert_element_type3A = arith.extui %eq3A_0 : i1 to i32
    %cond3A = arith.constant 0 : i32
    %cond3A_1 = arith.cmpi ne, %convert_element_type3A, %cond3A : i32
    scf.if %cond3A_1 {
      %broadcast_in_dim3A = arith.constant 0.000000e+00 : f32
      %broadcast_in_dim3A_11 = vector.broadcast %broadcast_in_dim3A : f32 to vector<8x128xf32>
      %swap3A = arith.constant 0 : index
      %swap3A_12 = arith.constant 0 : index
      %swap3A_13 = vector.load %arg9[%swap3A, %swap3A_12] : memref<8x128xf32, #tpu.memory_space<vmem>>, vector<8x128xf32>
      tpu.vector_store %arg9[%swap3A, %swap3A_12], %broadcast_in_dim3A_11 {strides = array<i32>} : memref<8x128xf32, #tpu.memory_space<vmem>>, vector<8x128xf32>,
    } else {
    }
    %lt3A = arith.constant 8 : i32
    %lt3A_2 = arith.cmpi slt, %arg0, %lt3A : i32
    %convert_element_type3A_3 = arith.extui %lt3A_2 : i1 to i32
    %cond3A_4 = arith.constant 0 : i32
    %cond3A_5 = arith.cmpi ne, %convert_element_type3A_3, %cond3A_4 : i32
    scf.if %cond3A_5 {
      %get3A = arith.constant 0 : index
      %get3A_11 = arith.constant 0 : index
      %get3A_12 = vector.load %arg1[%get3A, %get3A_11] : memref<256x2048xf32, #tpu.memory_space<vmem>>, vector<256x2048xf32>
      %get3A_13 = arith.constant 0 : index
      %get3A_14 = arith.constant 0 : index
      %get3A_15 = vector.load %arg2[%get3A_13, %get3A_14] : memref<2048x128xf32, #tpu.memory_space<vmem>>, vector<2048x128xf32>
      %dot_general3A = arith.constant dense<0.000000e+00> : vector<256x128xf32>
      %dot_general3A_16 = tpu.matmul %get3A_12, %get3A_15, %dot_general3A {dimension_numbers = #tpu.dot_dimension_numbers<[1], [0], [0], [1], [0, 0, 1, 1], [], []>, transpose_lhs_hint = false} : vector<256x2048xf32>, vector<2048x128xf32>, vector<256x128xf32> -> vector<256x128xf32>
      %get3A_17 = arith.constant 0 : index
      %get3A_18 = arith.constant 0 : index
      %get3A_19 = vector.load %arg3[%get3A_17, %get3A_18] : memref<1x128xf32, #tpu.memory_space<vmem>>, vector<1x128xf32>
      %add3A = vector.broadcast %get3A_19 : vector<1x128xf32> to vector<256x128xf32>
      %add3A_20 = arith.addf %dot_general3A_16, %add3A : vector<256x128xf32>
      %iota3A = tpu.iota {dimensions = array<i32: 1>} : vector<256x128xi32>
      %convert_element_type3A_21 = arith.sitofp %iota3A : vector<256x128xi32> to vector<256x128xf32>
      %reduce_max3A = arith.constant dense<0xFF800000> : vector<256xf32>
      %reduce_max3A_22 = vector.multi_reduction <maximumf>, %add3A_20, %reduce_max3A [1] : vector<256x128xf32> to vector<256xf32>
      %broadcast_in_dim3A = vector.shape_cast %reduce_max3A_22 : vector<256xf32> to vector<256x1xf32>
      %eq3A_23 = vector.broadcast %broadcast_in_dim3A : vector<256x1xf32> to vector<256x128xf32>
      %eq3A_24 = arith.cmpf oeq, %add3A_20, %eq3A_23 : vector<256x128xf32>
      %jit3A = arith.constant 1.000000e+09 : f32
      %broadcast_in_dim3A_25 = vector.broadcast %jit3A : f32 to vector<256x128xf32>
      %select_n3A = arith.select %eq3A_24, %convert_element_type3A_21, %broadcast_in_dim3A_25 : vector<256x128xi1>, vector<256x128xf32>
      %reduce_min3A = arith.constant dense<0x7F800000> : vector<256xf32>
      %reduce_min3A_26 = vector.multi_reduction <minimumf>, %select_n3A, %reduce_min3A [1] : vector<256x128xf32> to vector<256xf32>
      %broadcast_in_dim3A_27 = vector.shape_cast %reduce_min3A_26 : vector<256xf32> to vector<256x1xf32>
      %eq3A_28 = vector.broadcast %broadcast_in_dim3A_27 : vector<256x1xf32> to vector<256x128xf32>
      %eq3A_29 = arith.cmpf oeq, %convert_element_type3A_21, %eq3A_28 : vector<256x128xf32>
      %jit3A_30 = arith.constant -3.000000e+38 : f32
      %broadcast_in_dim3A_31 = vector.broadcast %jit3A_30 : f32 to vector<256x128xf32>
      %select_n3A_32 = arith.select %eq3A_29, %broadcast_in_dim3A_31, %add3A_20 : vector<256x128xi1>, vector<256x128xf32>
      %reduce_max3A_33 = arith.constant dense<0xFF800000> : vector<256xf32>
      %reduce_max3A_34 = vector.multi_reduction <maximumf>, %select_n3A_32, %reduce_max3A_33 [1] : vector<256x128xf32> to vector<256xf32>
      %broadcast_in_dim3A_35 = vector.shape_cast %reduce_max3A_34 : vector<256xf32> to vector<256x1xf32>
      %eq3A_36 = vector.broadcast %broadcast_in_dim3A_35 : vector<256x1xf32> to vector<256x128xf32>
      %eq3A_37 = arith.cmpf oeq, %select_n3A_32, %eq3A_36 : vector<256x128xf32>
      %jit3A_38 = arith.constant 1.000000e+09 : f32
      %broadcast_in_dim3A_39 = vector.broadcast %jit3A_38 : f32 to vector<256x128xf32>
      %select_n3A_40 = arith.select %eq3A_37, %convert_element_type3A_21, %broadcast_in_dim3A_39 : vector<256x128xi1>, vector<256x128xf32>
      %reduce_min3A_41 = arith.constant dense<0x7F800000> : vector<256xf32>
      %reduce_min3A_42 = vector.multi_reduction <minimumf>, %select_n3A_40, %reduce_min3A_41 [1] : vector<256x128xf32> to vector<256xf32>
      %broadcast_in_dim3A_43 = vector.shape_cast %reduce_min3A_42 : vector<256xf32> to vector<256x1xf32>
      %max3A = arith.maximumf %broadcast_in_dim3A_27, %broadcast_in_dim3A_43 : vector<256x1xf32>
      %eq3A_44 = vector.broadcast %max3A : vector<256x1xf32> to vector<256x128xf32>
      %eq3A_45 = arith.cmpf oeq, %convert_element_type3A_21, %eq3A_44 : vector<256x128xf32>
      %convert_element_type3A_46 = arith.extui %eq3A_45 : vector<256x128xi1> to vector<256x128xi32>
      %convert_element_type3A_47 = arith.sitofp %convert_element_type3A_46 : vector<256x128xi32> to vector<256x128xf32>
      %iota3A_48 = tpu.iota {dimensions = array<i32: 0>} : vector<256x256xi32>
      %iota3A_49 = tpu.iota {dimensions = array<i32: 1>} : vector<256x256xi32>
      %ge3A = arith.cmpi sge, %iota3A_48, %iota3A_49 : vector<256x256xi32>
      %convert_element_type3A_50 = arith.extui %ge3A : vector<256x256xi1> to vector<256x256xi32>
      %convert_element_type3A_51 = arith.sitofp %convert_element_type3A_50 : vector<256x256xi32> to vector<256x256xf32>
      %dot_general3A_52 = arith.constant dense<0.000000e+00> : vector<256x128xf32>
      %dot_general3A_53 = tpu.matmul %convert_element_type3A_51, %convert_element_type3A_47, %dot_general3A_52 {dimension_numbers = #tpu.dot_dimension_numbers<[1], [0], [0], [1], [0, 0, 1, 1], [], []>, transpose_lhs_hint = false} : vector<256x256xf32>, vector<256x128xf32>, vector<256x128xf32> -> vector<256x128xf32>
      %get3A_54 = arith.constant 0 : index
      %get3A_55 = arith.constant 0 : index
      %get3A_56 = vector.load %arg9[%get3A_54, %get3A_55] : memref<8x128xf32, #tpu.memory_space<vmem>>, vector<1x128xf32>
      %add3A_57 = vector.broadcast %get3A_56 : vector<1x128xf32> to vector<256x128xf32>
      %add3A_58 = arith.addf %dot_general3A_53, %add3A_57 : vector<256x128xf32>
      %mul3A = arith.constant 256 : i32
      %mul3A_59 = arith.muli %arg0, %mul3A : i32
      %swap3A = arith.index_cast %mul3A_59 : i32 to index
      %swap3A_60 = arith.constant 0 : index
      %swap3A_61 = vector.load %arg7[%swap3A, %swap3A_60] : memref<2048x128xf32, #tpu.memory_space<vmem>>, vector<256x128xf32>
      tpu.vector_store %arg7[%swap3A, %swap3A_60], %convert_element_type3A_47 {strides = array<i32>} : memref<2048x128xf32, #tpu.memory_space<vmem>>, vector<256x128xf32>,
      %sub3A = arith.constant 1.000000e+00 : f32
      %sub3A_62 = vector.broadcast %sub3A : f32 to vector<256x128xf32>
      %sub3A_63 = arith.subf %add3A_58, %sub3A_62 : vector<256x128xf32>
      %mul3A_64 = arith.mulf %convert_element_type3A_47, %sub3A_63 : vector<256x128xf32>
      %mul3A_65 = arith.constant 256 : i32
      %mul3A_66 = arith.muli %arg0, %mul3A_65 : i32
      %swap3A_67 = arith.index_cast %mul3A_66 : i32 to index
      %swap3A_68 = arith.constant 0 : index
      %swap3A_69 = vector.load %arg8[%swap3A_67, %swap3A_68] : memref<2048x128xf32, #tpu.memory_space<vmem>>, vector<256x128xf32>
      tpu.vector_store %arg8[%swap3A_67, %swap3A_68], %mul3A_64 {strides = array<i32>} : memref<2048x128xf32, #tpu.memory_space<vmem>>, vector<256x128xf32>,
      %sub3A_70 = vector.broadcast %broadcast_in_dim3A : vector<256x1xf32> to vector<256x128xf32>
      %sub3A_71 = arith.subf %add3A_20, %sub3A_70 : vector<256x128xf32>
      %exp3A = math.exp %sub3A_71 : vector<256x128xf32>
      %reduce_sum3A = arith.constant dense<0.000000e+00> : vector<256xf32>
      %reduce_sum3A_72 = vector.multi_reduction <add>, %exp3A, %reduce_sum3A [1] : vector<256x128xf32> to vector<256xf32>
      %broadcast_in_dim3A_73 = vector.shape_cast %reduce_sum3A_72 : vector<256xf32> to vector<256x1xf32>
      %log3A = math.log %broadcast_in_dim3A_73 : vector<256x1xf32>
      %add3A_74 = arith.addf %broadcast_in_dim3A, %log3A : vector<256x1xf32>
      %div3A = vector.broadcast %broadcast_in_dim3A_73 : vector<256x1xf32> to vector<256x128xf32>
      %div3A_75 = arith.divf %exp3A, %div3A : vector<256x128xf32>
      %eq3A_76 = vector.broadcast %broadcast_in_dim3A_27 : vector<256x1xf32> to vector<256x128xf32>
      %eq3A_77 = arith.cmpf oeq, %convert_element_type3A_21, %eq3A_76 : vector<256x128xf32>
      %convert_element_type3A_78 = arith.extui %eq3A_77 : vector<256x128xi1> to vector<256x128xi32>
      %convert_element_type3A_79 = arith.sitofp %convert_element_type3A_78 : vector<256x128xi32> to vector<256x128xf32>
      %get3A_80 = arith.constant 0 : index
      %get3A_81 = arith.constant 0 : index
      %get3A_82 = vector.load %arg9[%get3A_80, %get3A_81] : memref<8x128xf32, #tpu.memory_space<vmem>>, vector<1x128xf32>
      %reduce_sum3A_83 = arith.constant dense<0.000000e+00> : vector<128xf32>
      %reduce_sum3A_84 = vector.multi_reduction <add>, %convert_element_type3A_47, %reduce_sum3A_83 [0] : vector<256x128xf32> to vector<128xf32>
      %broadcast_in_dim3A_85 = vector.shape_cast %reduce_sum3A_84 : vector<128xf32> to vector<1x128xf32>
      %add3A_86 = arith.addf %get3A_82, %broadcast_in_dim3A_85 : vector<1x128xf32>
      %swap3A_87 = arith.constant 0 : index
      %swap3A_88 = arith.constant 0 : index
      %swap3A_89 = vector.load %arg9[%swap3A_87, %swap3A_88] : memref<8x128xf32, #tpu.memory_space<vmem>>, vector<1x128xf32>
      tpu.vector_store %arg9[%swap3A_87, %swap3A_88], %add3A_86 {strides = array<i32>} : memref<8x128xf32, #tpu.memory_space<vmem>>, vector<1x128xf32>,
      %get3A_90 = arith.constant 1 : index
      %get3A_91 = arith.constant 0 : index
      %get3A_92 = vector.load %arg9[%get3A_90, %get3A_91] : memref<8x128xf32, #tpu.memory_space<vmem>>, vector<1x128xf32>
      %mul3A_93 = arith.mulf %add3A_74, %add3A_74 : vector<256x1xf32>
      %reduce_sum3A_94 = vector.shape_cast %mul3A_93 : vector<256x1xf32> to vector<1x256x1xf32>
      %reduce_sum3A_95 = arith.constant dense<0.000000e+00> : vector<1xf32>
      %reduce_sum3A_96 = vector.multi_reduction <add>, %reduce_sum3A_94, %reduce_sum3A_95 [1, 2] : vector<1x256x1xf32> to vector<1xf32>
      %reduce_sum3A_97 = vector.shape_cast %reduce_sum3A_96 : vector<1xf32> to vector<1x1x1xf32>
      %reduce_sum3A_98 = vector.extract %reduce_sum3A_97[0, 0, 0] : f32 from vector<1x1x1xf32>
      %add3A_99 = vector.broadcast %reduce_sum3A_98 : f32 to vector<1x128xf32>
      %add3A_100 = arith.addf %get3A_92, %add3A_99 : vector<1x128xf32>
      %swap3A_101 = arith.constant 1 : index
      %swap3A_102 = arith.constant 0 : index
      %swap3A_103 = vector.load %arg9[%swap3A_101, %swap3A_102] : memref<8x128xf32, #tpu.memory_space<vmem>>, vector<1x128xf32>
      tpu.vector_store %arg9[%swap3A_101, %swap3A_102], %add3A_100 {strides = array<i32>} : memref<8x128xf32, #tpu.memory_space<vmem>>, vector<1x128xf32>,
      %get3A_104 = arith.constant 2 : index
      %get3A_105 = arith.constant 0 : index
      %get3A_106 = vector.load %arg9[%get3A_104, %get3A_105] : memref<8x128xf32, #tpu.memory_space<vmem>>, vector<1x128xf32>
      %reduce_sum3A_107 = arith.constant dense<0.000000e+00> : vector<128xf32>
      %reduce_sum3A_108 = vector.multi_reduction <add>, %div3A_75, %reduce_sum3A_107 [0] : vector<256x128xf32> to vector<128xf32>
      %broadcast_in_dim3A_109 = vector.shape_cast %reduce_sum3A_108 : vector<128xf32> to vector<1x128xf32>
      %add3A_110 = arith.addf %get3A_106, %broadcast_in_dim3A_109 : vector<1x128xf32>
      %swap3A_111 = arith.constant 2 : index
      %swap3A_112 = arith.constant 0 : index
      %swap3A_113 = vector.load %arg9[%swap3A_111, %swap3A_112] : memref<8x128xf32, #tpu.memory_space<vmem>>, vector<1x128xf32>
      tpu.vector_store %arg9[%swap3A_111, %swap3A_112], %add3A_110 {strides = array<i32>} : memref<8x128xf32, #tpu.memory_space<vmem>>, vector<1x128xf32>,
      %get3A_114 = arith.constant 3 : index
      %get3A_115 = arith.constant 0 : index
      %get3A_116 = vector.load %arg9[%get3A_114, %get3A_115] : memref<8x128xf32, #tpu.memory_space<vmem>>, vector<1x128xf32>
      %reduce_sum3A_117 = arith.constant dense<0.000000e+00> : vector<128xf32>
      %reduce_sum3A_118 = vector.multi_reduction <add>, %convert_element_type3A_79, %reduce_sum3A_117 [0] : vector<256x128xf32> to vector<128xf32>
      %broadcast_in_dim3A_119 = vector.shape_cast %reduce_sum3A_118 : vector<128xf32> to vector<1x128xf32>
      %add3A_120 = arith.addf %get3A_116, %broadcast_in_dim3A_119 : vector<1x128xf32>
      %swap3A_121 = arith.constant 3 : index
      %swap3A_122 = arith.constant 0 : index
      %swap3A_123 = vector.load %arg9[%swap3A_121, %swap3A_122] : memref<8x128xf32, #tpu.memory_space<vmem>>, vector<1x128xf32>
      tpu.vector_store %arg9[%swap3A_121, %swap3A_122], %add3A_120 {strides = array<i32>} : memref<8x128xf32, #tpu.memory_space<vmem>>, vector<1x128xf32>,
    } else {
    }
    %eq3A_6 = arith.constant 8 : i32
    %eq3A_7 = arith.cmpi eq, %arg0, %eq3A_6 : i32
    %convert_element_type3A_8 = arith.extui %eq3A_7 : i1 to i32
    %cond3A_9 = arith.constant 0 : i32
    %cond3A_10 = arith.cmpi ne, %convert_element_type3A_8, %cond3A_9 : i32
    scf.if %cond3A_10 {
      %get3A = arith.constant 0 : index
      %get3A_11 = arith.constant 0 : index
      %get3A_12 = vector.load %arg9[%get3A, %get3A_11] : memref<8x128xf32, #tpu.memory_space<vmem>>, vector<1x128xf32>
      %iota3A = tpu.iota {dimensions = array<i32: 0>} : vector<128x128xi32>
      %iota3A_13 = tpu.iota {dimensions = array<i32: 1>} : vector<128x128xi32>
      %lt3A_14 = arith.cmpi slt, %iota3A, %iota3A_13 : vector<128x128xi32>
      %convert_element_type3A_15 = arith.extui %lt3A_14 : vector<128x128xi1> to vector<128x128xi32>
      %convert_element_type3A_16 = arith.sitofp %convert_element_type3A_15 : vector<128x128xi32> to vector<128x128xf32>
      %dot_general3A = arith.constant dense<0.000000e+00> : vector<1x128xf32>
      %dot_general3A_17 = tpu.matmul %get3A_12, %convert_element_type3A_16, %dot_general3A {dimension_numbers = #tpu.dot_dimension_numbers<[1], [0], [0], [1], [0, 0, 1, 1], [], []>, precision = #tpu.contract_precision<fp32>, transpose_lhs_hint = false} : vector<1x128xf32>, vector<128x128xf32>, vector<1x128xf32> -> vector<1x128xf32>
      %get3A_18 = arith.constant 0 : index
      %get3A_19 = arith.constant 0 : index
      %get3A_20 = vector.load %arg8[%get3A_18, %get3A_19] : memref<2048x128xf32, #tpu.memory_space<vmem>>, vector<2048x128xf32>
      %get3A_21 = arith.constant 0 : index
      %get3A_22 = arith.constant 0 : index
      %get3A_23 = vector.load %arg7[%get3A_21, %get3A_22] : memref<2048x128xf32, #tpu.memory_space<vmem>>, vector<2048x128xf32>
      %mul3A = vector.broadcast %dot_general3A_17 : vector<1x128xf32> to vector<2048x128xf32>
      %mul3A_24 = arith.mulf %get3A_23, %mul3A : vector<2048x128xf32>
      %add3A = arith.addf %get3A_20, %mul3A_24 : vector<2048x128xf32>
      %reduce_sum3A = arith.constant dense<0.000000e+00> : vector<2048xf32>
      %reduce_sum3A_25 = vector.multi_reduction <add>, %add3A, %reduce_sum3A [1] : vector<2048x128xf32> to vector<2048xf32>
      %broadcast_in_dim3A = vector.shape_cast %reduce_sum3A_25 : vector<2048xf32> to vector<2048x1xf32>
      %broadcast_in_dim3A_26 = vector.shape_cast %broadcast_in_dim3A : vector<2048x1xf32> to vector<2048x1xf32>
      %broadcast_in_dim3A_27 = vector.broadcast %broadcast_in_dim3A_26 : vector<2048x1xf32> to vector<2048x128xf32>
      %convert_element_type3A_28 = arith.fptosi %broadcast_in_dim3A_27 : vector<2048x128xf32> to vector<2048x128xi32>
      %swap3A = arith.constant 0 : index
      %swap3A_29 = arith.constant 0 : index
      %swap3A_30 = vector.load %arg4[%swap3A, %swap3A_29] : memref<2048x128xi32, #tpu.memory_space<vmem>>, vector<2048x128xi32>
      tpu.vector_store %arg4[%swap3A, %swap3A_29], %convert_element_type3A_28 {strides = array<i32>} : memref<2048x128xi32, #tpu.memory_space<vmem>>, vector<2048x128xi32>,
      %broadcast_in_dim3A_31 = vector.shape_cast %dot_general3A_17 : vector<1x128xf32> to vector<1x128xf32>
      %broadcast_in_dim3A_32 = vector.broadcast %broadcast_in_dim3A_31 : vector<1x128xf32> to vector<8x128xf32>
      %convert_element_type3A_33 = arith.fptosi %broadcast_in_dim3A_32 : vector<8x128xf32> to vector<8x128xi32>
      %swap3A_34 = arith.constant 0 : index
      %swap3A_35 = arith.constant 0 : index
      %swap3A_36 = vector.load %arg5[%swap3A_34, %swap3A_35] : memref<8x128xi32, #tpu.memory_space<vmem>>, vector<8x128xi32>
      tpu.vector_store %arg5[%swap3A_34, %swap3A_35], %convert_element_type3A_33 {strides = array<i32>} : memref<8x128xi32, #tpu.memory_space<vmem>>, vector<8x128xi32>,
      %get3A_37 = arith.constant 1 : index
      %get3A_38 = arith.constant 0 : index
      %get3A_39 = vector.load %arg9[%get3A_37, %get3A_38] : memref<8x128xf32, #tpu.memory_space<vmem>>, vector<1x128xf32>
      %mul3A_40 = arith.constant 4.8828125E-4 : f32
      %mul3A_41 = vector.broadcast %mul3A_40 : f32 to vector<1x128xf32>
      %mul3A_42 = arith.mulf %get3A_39, %mul3A_41 : vector<1x128xf32>
      %get3A_43 = arith.constant 3 : index
      %get3A_44 = arith.constant 0 : index
      %get3A_45 = vector.load %arg9[%get3A_43, %get3A_44] : memref<8x128xf32, #tpu.memory_space<vmem>>, vector<1x128xf32>
      %get3A_46 = arith.constant 2 : index
      %get3A_47 = arith.constant 0 : index
      %get3A_48 = vector.load %arg9[%get3A_46, %get3A_47] : memref<8x128xf32, #tpu.memory_space<vmem>>, vector<1x128xf32>
      %mul3A_49 = arith.mulf %get3A_45, %get3A_48 : vector<1x128xf32>
      %reduce_sum3A_50 = arith.constant dense<0.000000e+00> : vector<1xf32>
      %reduce_sum3A_51 = vector.multi_reduction <add>, %mul3A_49, %reduce_sum3A_50 [1] : vector<1x128xf32> to vector<1xf32>
      %broadcast_in_dim3A_52 = vector.shape_cast %reduce_sum3A_51 : vector<1xf32> to vector<1x1xf32>
      %mul3A_53 = arith.constant 1.90734859E-8 : f32
      %mul3A_54 = vector.broadcast %mul3A_53 : f32 to vector<1x1xf32>
      %mul3A_55 = arith.mulf %broadcast_in_dim3A_52, %mul3A_54 : vector<1x1xf32>
      %broadcast_in_dim3A_56 = vector.shape_cast %mul3A_55 : vector<1x1xf32> to vector<1x1xf32>
      %broadcast_in_dim3A_57 = vector.broadcast %broadcast_in_dim3A_56 : vector<1x1xf32> to vector<1x128xf32>
      %broadcast_in_dim3A_58 = arith.constant 0.000000e+00 : f32
      %broadcast_in_dim3A_59 = vector.broadcast %broadcast_in_dim3A_58 : f32 to vector<6x128xf32>
      %concatenate3A = tpu.concatenate %mul3A_42, %broadcast_in_dim3A_57, %broadcast_in_dim3A_59 in 0 : vector<1x128xf32>, vector<1x128xf32>, vector<6x128xf32> -> vector<8x128xf32>
      %swap3A_60 = arith.constant 0 : index
      %swap3A_61 = arith.constant 0 : index
      %swap3A_62 = vector.load %arg6[%swap3A_60, %swap3A_61] : memref<8x128xf32, #tpu.memory_space<vmem>>, vector<8x128xf32>
      tpu.vector_store %arg6[%swap3A_60, %swap3A_61], %concatenate3A {strides = array<i32>} : memref<8x128xf32, #tpu.memory_space<vmem>>, vector<8x128xf32>,
    } else {
    }
    return
  }
  func.func @transform_0(%arg0: i32) -> (i32, i32) {
    %min3A = arith.constant 7 : i32
    %min3A_0 = arith.minsi %arg0, %min3A : i32
    %c0_i32 = arith.constant 0 : i32
    %c0_i32_1 = arith.constant 0 : i32
    return %min3A_0, %c0_i32 : i32, i32
  }
  func.func @transform_1(%arg0: i32) -> (i32, i32) {
    %c0_i32 = arith.constant 0 : i32
    %c0_i32_0 = arith.constant 0 : i32
    %c0_i32_1 = arith.constant 0 : i32
    return %c0_i32, %c0_i32_0 : i32, i32
  }
  func.func @transform_2(%arg0: i32) -> (i32, i32) {
    %c0_i32 = arith.constant 0 : i32
    %c0_i32_0 = arith.constant 0 : i32
    %c0_i32_1 = arith.constant 0 : i32
    return %c0_i32, %c0_i32_0 : i32, i32
  }
  func.func @transform_3(%arg0: i32) -> (i32, i32) {
    %c0_i32 = arith.constant 0 : i32
    %c0_i32_0 = arith.constant 0 : i32
    %c0_i32_1 = arith.constant 0 : i32
    return %c0_i32, %c0_i32_0 : i32, i32
  }
  func.func @transform_4(%arg0: i32) -> (i32, i32) {
    %c0_i32 = arith.constant 0 : i32
    %c0_i32_0 = arith.constant 0 : i32
    %c0_i32_1 = arith.constant 0 : i32
    return %c0_i32, %c0_i32_0 : i32, i32
  }
  func.func @transform_5(%arg0: i32) -> (i32, i32) {
    %c0_i32 = arith.constant 0 : i32
    %c0_i32_0 = arith.constant 0 : i32
    %c0_i32_1 = arith.constant 0 : i32
    return %c0_i32, %c0_i32_0 : i32, i32
  }
}

module attributes {stable_mosaic.version = 14 : i64} {
  func.func @_ffn_body(%arg0: i32, %arg1: i32, %arg2: memref<9x48xi32, #tpu.memory_space<smem>>, %arg3: memref<2x48xi32, #tpu.memory_space<smem>>, %arg4: memref<2048x2048xf32, #tpu.memory_space<vmem>>, %arg5: memref<8x2048x4096xf32, #tpu.memory_space<any>>, %arg6: memref<1x2048x128xf32, #tpu.memory_space<vmem>>, %arg7: memref<1x1x1x2048xf32, #tpu.memory_space<vmem>>, %arg8: memref<1x1x128xf32, #tpu.memory_space<vmem>>, %arg9: memref<2048x128xf32, #tpu.memory_space<vmem>>, %arg10: memref<2x2048x2048xf32, #tpu.memory_space<vmem>>, %arg11: memref<2x!tpu.dma_semaphore, #tpu.memory_space<semaphore_mem>>) attributes {dimension_semantics = [#tpu.dimension_semantics<arbitrary>, #tpu.dimension_semantics<arbitrary>], iteration_bounds = array<i64: 2, 24>, scalar_prefetch = 2 : i64, scratch_operands = 2 : i64, tpu.core_type = #tpu.core_type<tc>, window_params = [{pipeline_mode = #tpu.pipeline_mode<synchronous>, transform_indices = @transform_0, window_bounds = array<i64: 2048, 2048>}, {}, {transform_indices = @transform_2, window_bounds = array<i64: 1, 2048, 128>}, {transform_indices = @transform_3, window_bounds = array<i64: 1, 1, 1, 2048>}, {transform_indices = @transform_4, window_bounds = array<i64: 1, 1, 128>}, {pipeline_mode = #tpu.pipeline_mode<synchronous>, transform_indices = @transform_5, window_bounds = array<i64: 2048, 128>}]} {
    %mul3A = arith.constant 24 : i32
    %mul3A_0 = arith.muli %arg0, %mul3A : i32
    %add3A = arith.addi %mul3A_0, %arg1 : i32
    %eq3A = arith.constant 0 : i32
    %eq3A_1 = arith.cmpi eq, %add3A, %eq3A : i32
    %convert_element_type3A = arith.extui %eq3A_1 : i1 to i32
    %cond3A = arith.constant 0 : i32
    %cond3A_2 = arith.cmpi ne, %convert_element_type3A, %cond3A : i32
    scf.if %cond3A_2 {
      %broadcast_in_dim3A = arith.constant 0.000000e+00 : f32
      %broadcast_in_dim3A_29 = vector.broadcast %broadcast_in_dim3A : f32 to vector<2048x128xf32>
      %swap3A = arith.constant 0 : index
      %swap3A_30 = arith.constant 0 : index
      %swap3A_31 = vector.load %arg9[%swap3A, %swap3A_30] : memref<2048x128xf32, #tpu.memory_space<vmem>>, vector<2048x128xf32>
      tpu.vector_store %arg9[%swap3A, %swap3A_30], %broadcast_in_dim3A_29 {strides = array<i32>} : memref<2048x128xf32, #tpu.memory_space<vmem>>, vector<2048x128xf32>,
      %get3A_32 = arith.constant 0 : index
      %get3A_33 = arith.constant 0 : index
      %get3A_34 = memref.load %arg3[%get3A_32, %get3A_33] : memref<2x48xi32, #tpu.memory_space<smem>>
      %get3A_35 = arith.constant 1 : index
      %get3A_36 = arith.constant 0 : index
      %get3A_37 = memref.load %arg3[%get3A_35, %get3A_36] : memref<2x48xi32, #tpu.memory_space<smem>>
      %mul3A_38 = arith.constant 2048 : i32
      %mul3A_39 = arith.muli %get3A_37, %mul3A_38 : i32
      %dma_start3A = arith.constant 0 : i32
      %dma_start3A_40 = arith.constant 0 : i32
      %dma_start3A_41 = tpu.memref_slice %arg11[%dma_start3A_40] : memref<2x!tpu.dma_semaphore, #tpu.memory_space<semaphore_mem>> -> memref<1x!tpu.dma_semaphore, #tpu.memory_space<semaphore_mem>>
      %dma_start3A_42 = tpu.memref_squeeze %dma_start3A_41 : memref<1x!tpu.dma_semaphore, #tpu.memory_space<semaphore_mem>> -> memref<!tpu.dma_semaphore, #tpu.memory_space<semaphore_mem>>
      %dma_start3A_43 = arith.constant 0 : i32
      %dma_start3A_44 = arith.constant 0 : i32
      %dma_start3A_45 = tpu.memref_slice %arg10[%dma_start3A, %dma_start3A_43, %dma_start3A_44] : memref<2x2048x2048xf32, #tpu.memory_space<vmem>> -> memref<1x2048x2048xf32, #tpu.memory_space<vmem>>
      %dma_start3A_46 = tpu.memref_squeeze %dma_start3A_45 : memref<1x2048x2048xf32, #tpu.memory_space<vmem>> -> memref<2048x2048xf32, #tpu.memory_space<vmem>>
      %dma_start3A_47 = arith.constant 0 : i32
      %dma_start3A_48 = tpu.memref_slice %arg5[%get3A_34, %dma_start3A_47, %mul3A_39] : memref<8x2048x4096xf32, #tpu.memory_space<any>> -> memref<1x2048x2048xf32, #tpu.memory_space<any>>
      %dma_start3A_49 = tpu.memref_squeeze %dma_start3A_48 : memref<1x2048x2048xf32, #tpu.memory_space<any>> -> memref<2048x2048xf32, #tpu.memory_space<any>>
      tpu.enqueue_dma source(%dma_start3A_49 : memref<2048x2048xf32, #tpu.memory_space<any>>) target(%dma_start3A_46 : memref<2048x2048xf32, #tpu.memory_space<vmem>>) target_semaphore(%dma_start3A_42 : memref<!tpu.dma_semaphore, #tpu.memory_space<semaphore_mem>>)
      %get3A_50 = arith.constant 0 : index
      %get3A_51 = arith.constant 1 : index
      %get3A_52 = memref.load %arg3[%get3A_50, %get3A_51] : memref<2x48xi32, #tpu.memory_space<smem>>
      %get3A_53 = arith.constant 1 : index
      %get3A_54 = arith.constant 1 : index
      %get3A_55 = memref.load %arg3[%get3A_53, %get3A_54] : memref<2x48xi32, #tpu.memory_space<smem>>
      %mul3A_56 = arith.constant 2048 : i32
      %mul3A_57 = arith.muli %get3A_55, %mul3A_56 : i32
      %dma_start3A_58 = arith.constant 1 : i32
      %dma_start3A_59 = arith.constant 1 : i32
      %dma_start3A_60 = tpu.memref_slice %arg11[%dma_start3A_59] : memref<2x!tpu.dma_semaphore, #tpu.memory_space<semaphore_mem>> -> memref<1x!tpu.dma_semaphore, #tpu.memory_space<semaphore_mem>>
      %dma_start3A_61 = tpu.memref_squeeze %dma_start3A_60 : memref<1x!tpu.dma_semaphore, #tpu.memory_space<semaphore_mem>> -> memref<!tpu.dma_semaphore, #tpu.memory_space<semaphore_mem>>
      %dma_start3A_62 = arith.constant 0 : i32
      %dma_start3A_63 = arith.constant 0 : i32
      %dma_start3A_64 = tpu.memref_slice %arg10[%dma_start3A_58, %dma_start3A_62, %dma_start3A_63] : memref<2x2048x2048xf32, #tpu.memory_space<vmem>> -> memref<1x2048x2048xf32, #tpu.memory_space<vmem>>
      %dma_start3A_65 = tpu.memref_squeeze %dma_start3A_64 : memref<1x2048x2048xf32, #tpu.memory_space<vmem>> -> memref<2048x2048xf32, #tpu.memory_space<vmem>>
      %dma_start3A_66 = arith.constant 0 : i32
      %dma_start3A_67 = tpu.memref_slice %arg5[%get3A_52, %dma_start3A_66, %mul3A_57] : memref<8x2048x4096xf32, #tpu.memory_space<any>> -> memref<1x2048x2048xf32, #tpu.memory_space<any>>
      %dma_start3A_68 = tpu.memref_squeeze %dma_start3A_67 : memref<1x2048x2048xf32, #tpu.memory_space<any>> -> memref<2048x2048xf32, #tpu.memory_space<any>>
      tpu.enqueue_dma source(%dma_start3A_68 : memref<2048x2048xf32, #tpu.memory_space<any>>) target(%dma_start3A_65 : memref<2048x2048xf32, #tpu.memory_space<vmem>>) target_semaphore(%dma_start3A_61 : memref<!tpu.dma_semaphore, #tpu.memory_space<semaphore_mem>>)
    } else {
    }
    %get3A = arith.constant 6 : index
    %get3A_3 = arith.index_cast %add3A : i32 to index
    %get3A_4 = memref.load %arg2[%get3A, %get3A_3] : memref<9x48xi32, #tpu.memory_space<smem>>
    %ge3A = arith.constant 0 : i32
    %ge3A_5 = arith.cmpi sge, %get3A_4, %ge3A : i32
    %convert_element_type3A_6 = arith.extui %ge3A_5 : i1 to i32
    %cond3A_7 = arith.constant 0 : i32
    %cond3A_8 = arith.cmpi ne, %convert_element_type3A_6, %cond3A_7 : i32
    scf.if %cond3A_8 {
      %get3A_29 = arith.constant 7 : index
      %get3A_30 = arith.index_cast %add3A : i32 to index
      %get3A_31 = memref.load %arg2[%get3A_29, %get3A_30] : memref<9x48xi32, #tpu.memory_space<smem>>
      %get3A_32 = arith.constant 0 : index
      %get3A_33 = arith.index_cast %get3A_4 : i32 to index
      %get3A_34 = memref.load %arg3[%get3A_32, %get3A_33] : memref<2x48xi32, #tpu.memory_space<smem>>
      %get3A_35 = arith.constant 1 : index
      %get3A_36 = arith.index_cast %get3A_4 : i32 to index
      %get3A_37 = memref.load %arg3[%get3A_35, %get3A_36] : memref<2x48xi32, #tpu.memory_space<smem>>
      %mul3A_38 = arith.constant 2048 : i32
      %mul3A_39 = arith.muli %get3A_37, %mul3A_38 : i32
      %dma_start3A = tpu.memref_slice %arg11[%get3A_31] : memref<2x!tpu.dma_semaphore, #tpu.memory_space<semaphore_mem>> -> memref<1x!tpu.dma_semaphore, #tpu.memory_space<semaphore_mem>>
      %dma_start3A_40 = tpu.memref_squeeze %dma_start3A : memref<1x!tpu.dma_semaphore, #tpu.memory_space<semaphore_mem>> -> memref<!tpu.dma_semaphore, #tpu.memory_space<semaphore_mem>>
      %dma_start3A_41 = arith.constant 0 : i32
      %dma_start3A_42 = arith.constant 0 : i32
      %dma_start3A_43 = tpu.memref_slice %arg10[%get3A_31, %dma_start3A_41, %dma_start3A_42] : memref<2x2048x2048xf32, #tpu.memory_space<vmem>> -> memref<1x2048x2048xf32, #tpu.memory_space<vmem>>
      %dma_start3A_44 = tpu.memref_squeeze %dma_start3A_43 : memref<1x2048x2048xf32, #tpu.memory_space<vmem>> -> memref<2048x2048xf32, #tpu.memory_space<vmem>>
      %dma_start3A_45 = arith.constant 0 : i32
      %dma_start3A_46 = tpu.memref_slice %arg5[%get3A_34, %dma_start3A_45, %mul3A_39] : memref<8x2048x4096xf32, #tpu.memory_space<any>> -> memref<1x2048x2048xf32, #tpu.memory_space<any>>
      %dma_start3A_47 = tpu.memref_squeeze %dma_start3A_46 : memref<1x2048x2048xf32, #tpu.memory_space<any>> -> memref<2048x2048xf32, #tpu.memory_space<any>>
      tpu.enqueue_dma source(%dma_start3A_47 : memref<2048x2048xf32, #tpu.memory_space<any>>) target(%dma_start3A_44 : memref<2048x2048xf32, #tpu.memory_space<vmem>>) target_semaphore(%dma_start3A_40 : memref<!tpu.dma_semaphore, #tpu.memory_space<semaphore_mem>>)
    } else {
    }
    %get3A_9 = arith.constant 4 : index
    %get3A_10 = arith.index_cast %add3A : i32 to index
    %get3A_11 = memref.load %arg2[%get3A_9, %get3A_10] : memref<9x48xi32, #tpu.memory_space<smem>>
    %get3A_12 = arith.constant 5 : index
    %get3A_13 = arith.index_cast %add3A : i32 to index
    %get3A_14 = memref.load %arg2[%get3A_12, %get3A_13] : memref<9x48xi32, #tpu.memory_space<smem>>
    %eq3A_15 = arith.constant 1 : i32
    %eq3A_16 = arith.cmpi eq, %get3A_14, %eq3A_15 : i32
    %convert_element_type3A_17 = arith.extui %eq3A_16 : i1 to i32
    %cond3A_18 = arith.constant 0 : i32
    %cond3A_19 = arith.cmpi ne, %convert_element_type3A_17, %cond3A_18 : i32
    scf.if %cond3A_19 {
      %get3A_29 = arith.constant 8 : index
      %get3A_30 = arith.index_cast %add3A : i32 to index
      %get3A_31 = memref.load %arg2[%get3A_29, %get3A_30] : memref<9x48xi32, #tpu.memory_space<smem>>
      %get3A_32 = arith.constant 0 : index
      %get3A_33 = arith.index_cast %get3A_31 : i32 to index
      %get3A_34 = memref.load %arg3[%get3A_32, %get3A_33] : memref<2x48xi32, #tpu.memory_space<smem>>
      %get3A_35 = arith.constant 1 : index
      %get3A_36 = arith.index_cast %get3A_31 : i32 to index
      %get3A_37 = memref.load %arg3[%get3A_35, %get3A_36] : memref<2x48xi32, #tpu.memory_space<smem>>
      %mul3A_38 = arith.constant 2048 : i32
      %mul3A_39 = arith.muli %get3A_37, %mul3A_38 : i32
      %dma_wait3A = tpu.memref_slice %arg11[%get3A_11] : memref<2x!tpu.dma_semaphore, #tpu.memory_space<semaphore_mem>> -> memref<1x!tpu.dma_semaphore, #tpu.memory_space<semaphore_mem>>
      %dma_wait3A_40 = tpu.memref_squeeze %dma_wait3A : memref<1x!tpu.dma_semaphore, #tpu.memory_space<semaphore_mem>> -> memref<!tpu.dma_semaphore, #tpu.memory_space<semaphore_mem>>
      %dma_wait3A_41 = arith.constant 0 : i32
      %dma_wait3A_42 = arith.constant 0 : i32
      %dma_wait3A_43 = tpu.memref_slice %arg10[%get3A_11, %dma_wait3A_41, %dma_wait3A_42] : memref<2x2048x2048xf32, #tpu.memory_space<vmem>> -> memref<1x2048x2048xf32, #tpu.memory_space<vmem>>
      %dma_wait3A_44 = tpu.memref_squeeze %dma_wait3A_43 : memref<1x2048x2048xf32, #tpu.memory_space<vmem>> -> memref<2048x2048xf32, #tpu.memory_space<vmem>>
      %dma_wait3A_45 = arith.constant 0 : i32
      %dma_wait3A_46 = tpu.memref_slice %arg5[%get3A_34, %dma_wait3A_45, %mul3A_39] : memref<8x2048x4096xf32, #tpu.memory_space<any>> -> memref<1x2048x2048xf32, #tpu.memory_space<any>>
      %dma_wait3A_47 = tpu.memref_squeeze %dma_wait3A_46 : memref<1x2048x2048xf32, #tpu.memory_space<any>> -> memref<2048x2048xf32, #tpu.memory_space<any>>
      tpu.wait_dma2 semaphore(%dma_wait3A_40 : memref<!tpu.dma_semaphore, #tpu.memory_space<semaphore_mem>>) src(%dma_wait3A_47 : memref<2048x2048xf32, #tpu.memory_space<any>>) dst(%dma_wait3A_44 : memref<2048x2048xf32, #tpu.memory_space<vmem>>)
    } else {
    }
    %get3A_20 = arith.constant 2 : index
    %get3A_21 = arith.index_cast %arg1 : i32 to index
    %get3A_22 = memref.load %arg2[%get3A_20, %get3A_21] : memref<9x48xi32, #tpu.memory_space<smem>>
    %get3A_23 = arith.constant 3 : index
    %get3A_24 = arith.index_cast %arg1 : i32 to index
    %get3A_25 = memref.load %arg2[%get3A_23, %get3A_24] : memref<9x48xi32, #tpu.memory_space<smem>>
    %lt3A = arith.cmpi slt, %get3A_22, %get3A_25 : i32
    %convert_element_type3A_26 = arith.extui %lt3A : i1 to i32
    %cond3A_27 = arith.constant 0 : i32
    %cond3A_28 = arith.cmpi ne, %convert_element_type3A_26, %cond3A_27 : i32
    scf.if %cond3A_28 {
      %get3A_29 = arith.constant 1 : index
      %get3A_30 = arith.index_cast %arg1 : i32 to index
      %get3A_31 = memref.load %arg2[%get3A_29, %get3A_30] : memref<9x48xi32, #tpu.memory_space<smem>>
      %multiple_of3A = tpu.assume_multiple %get3A_31, 8 : i32
      %get3A_32 = arith.index_cast %multiple_of3A : i32 to index
      %get3A_33 = arith.constant 0 : index
      %get3A_34 = vector.load %arg4[%get3A_32, %get3A_33] : memref<2048x2048xf32, #tpu.memory_space<vmem>>, vector<128x2048xf32>
      %get3A_35 = arith.index_cast %get3A_11 : i32 to index
      %get3A_36 = arith.constant 0 : index
      %get3A_37 = arith.constant 0 : index
      %get3A_38 = vector.load %arg10[%get3A_35, %get3A_36, %get3A_37] : memref<2x2048x2048xf32, #tpu.memory_space<vmem>>, vector<1x2048x2048xf32>
      %get3A_39 = vector.shape_cast %get3A_38 : vector<1x2048x2048xf32> to vector<2048x2048xf32>
      %dot_general3A = arith.constant dense<0.000000e+00> : vector<128x2048xf32>
      %dot_general3A_40 = tpu.matmul %get3A_34, %get3A_39, %dot_general3A {dimension_numbers = #tpu.dot_dimension_numbers<[1], [0], [0], [1], [0, 0, 1, 1], [], []>, transpose_lhs_hint = false} : vector<128x2048xf32>, vector<2048x2048xf32>, vector<128x2048xf32> -> vector<128x2048xf32>
      %get3A_41 = arith.constant 0 : index
      %get3A_42 = arith.constant 0 : index
      %get3A_43 = arith.constant 0 : index
      %get3A_44 = arith.constant 0 : index
      %get3A_45 = vector.load %arg7[%get3A_41, %get3A_42, %get3A_43, %get3A_44] : memref<1x1x1x2048xf32, #tpu.memory_space<vmem>>, vector<1x1x1x2048xf32>
      %get3A_46 = vector.shape_cast %get3A_45 : vector<1x1x1x2048xf32> to vector<1x2048xf32>
      %add3A_47 = vector.broadcast %get3A_46 : vector<1x2048xf32> to vector<128x2048xf32>
      %add3A_48 = arith.addf %dot_general3A_40, %add3A_47 : vector<128x2048xf32>
      %max3A = arith.constant 0.000000e+00 : f32
      %max3A_49 = vector.broadcast %max3A : f32 to vector<128x2048xf32>
      %max3A_50 = arith.maximumf %add3A_48, %max3A_49 : vector<128x2048xf32>
      %get3A_51 = arith.constant 0 : index
      %get3A_52 = arith.constant 0 : index
      %get3A_53 = arith.constant 0 : index
      %get3A_54 = vector.load %arg6[%get3A_51, %get3A_52, %get3A_53] : memref<1x2048x128xf32, #tpu.memory_space<vmem>>, vector<1x2048x128xf32>
      %get3A_55 = vector.shape_cast %get3A_54 : vector<1x2048x128xf32> to vector<2048x128xf32>
      %dot_general3A_56 = arith.constant dense<0.000000e+00> : vector<128x128xf32>
      %dot_general3A_57 = tpu.matmul %max3A_50, %get3A_55, %dot_general3A_56 {dimension_numbers = #tpu.dot_dimension_numbers<[1], [0], [0], [1], [0, 0, 1, 1], [], []>, transpose_lhs_hint = false} : vector<128x2048xf32>, vector<2048x128xf32>, vector<128x128xf32> -> vector<128x128xf32>
      %eq3A_58 = arith.constant 0 : i32
      %eq3A_59 = arith.cmpi eq, %arg0, %eq3A_58 : i32
      %jit3A = arith.constant 1.000000e+00 : f32
      %jit3A_60 = arith.constant 0.000000e+00 : f32
      %select_n3A = arith.select %eq3A_59, %jit3A, %jit3A_60 : f32
      %get3A_61 = arith.constant 0 : index
      %get3A_62 = arith.constant 0 : index
      %get3A_63 = arith.constant 0 : index
      %get3A_64 = vector.load %arg8[%get3A_61, %get3A_62, %get3A_63] : memref<1x1x128xf32, #tpu.memory_space<vmem>>, vector<1x1x128xf32>
      %get3A_65 = vector.shape_cast %get3A_64 : vector<1x1x128xf32> to vector<1x128xf32>
      %mul3A_66 = vector.broadcast %select_n3A : f32 to vector<1x128xf32>
      %mul3A_67 = arith.mulf %mul3A_66, %get3A_65 : vector<1x128xf32>
      %add3A_68 = vector.broadcast %mul3A_67 : vector<1x128xf32> to vector<128x128xf32>
      %add3A_69 = arith.addf %dot_general3A_57, %add3A_68 : vector<128x128xf32>
      %iota3A = tpu.iota {dimensions = array<i32: 0>} : vector<128x128xi32>
      %add3A_70 = vector.broadcast %multiple_of3A : i32 to vector<128x128xi32>
      %add3A_71 = arith.addi %add3A_70, %iota3A : vector<128x128xi32>
      %ge3A_72 = vector.broadcast %get3A_22 : i32 to vector<128x128xi32>
      %ge3A_73 = arith.cmpi sge, %add3A_71, %ge3A_72 : vector<128x128xi32>
      %lt3A_74 = vector.broadcast %get3A_25 : i32 to vector<128x128xi32>
      %lt3A_75 = arith.cmpi slt, %add3A_71, %lt3A_74 : vector<128x128xi32>
      %and3A = arith.andi %ge3A_73, %lt3A_75 : vector<128x128xi1>
      %get3A_76 = arith.index_cast %multiple_of3A : i32 to index
      %get3A_77 = arith.constant 0 : index
      %get3A_78 = vector.load %arg9[%get3A_76, %get3A_77] : memref<2048x128xf32, #tpu.memory_space<vmem>>, vector<128x128xf32>
      %jit3A_79 = arith.constant 0.000000e+00 : f32
      %broadcast_in_dim3A = vector.broadcast %jit3A_79 : f32 to vector<128x128xf32>
      %select_n3A_80 = arith.select %and3A, %add3A_69, %broadcast_in_dim3A : vector<128x128xi1>, vector<128x128xf32>
      %add3A_81 = arith.addf %get3A_78, %select_n3A_80 : vector<128x128xf32>
      %swap3A = arith.index_cast %multiple_of3A : i32 to index
      %swap3A_82 = arith.constant 0 : index
      %swap3A_83 = vector.load %arg9[%swap3A, %swap3A_82] : memref<2048x128xf32, #tpu.memory_space<vmem>>, vector<128x128xf32>
      tpu.vector_store %arg9[%swap3A, %swap3A_82], %add3A_81 {strides = array<i32>} : memref<2048x128xf32, #tpu.memory_space<vmem>>, vector<128x128xf32>,
    } else {
    }
    return
  }
  func.func @transform_0(%arg0: i32, %arg1: i32, %arg2: memref<9x48xi32, #tpu.memory_space<smem>>, %arg3: memref<2x48xi32, #tpu.memory_space<smem>>) -> (i32, i32) {
    %c0_i32 = arith.constant 0 : i32
    %c0_i32_0 = arith.constant 0 : i32
    %c0_i32_1 = arith.constant 0 : i32
    return %c0_i32, %c0_i32_0 : i32, i32
  }
  func.func @transform_2(%arg0: i32, %arg1: i32, %arg2: memref<9x48xi32, #tpu.memory_space<smem>>, %arg3: memref<2x48xi32, #tpu.memory_space<smem>>) -> (i32, i32, i32) {
    %get3A = arith.constant 0 : index
    %get3A_0 = arith.index_cast %arg1 : i32 to index
    %get3A_1 = memref.load %arg2[%get3A, %get3A_0] : memref<9x48xi32, #tpu.memory_space<smem>>
    %c0_i32 = arith.constant 0 : i32
    %c0_i32_2 = arith.constant 0 : i32
    return %get3A_1, %arg0, %c0_i32 : i32, i32, i32
  }
  func.func @transform_3(%arg0: i32, %arg1: i32, %arg2: memref<9x48xi32, #tpu.memory_space<smem>>, %arg3: memref<2x48xi32, #tpu.memory_space<smem>>) -> (i32, i32, i32, i32) {
    %get3A = arith.constant 0 : index
    %get3A_0 = arith.index_cast %arg1 : i32 to index
    %get3A_1 = memref.load %arg2[%get3A, %get3A_0] : memref<9x48xi32, #tpu.memory_space<smem>>
    %c0_i32 = arith.constant 0 : i32
    %c0_i32_2 = arith.constant 0 : i32
    %c0_i32_3 = arith.constant 0 : i32
    return %get3A_1, %arg0, %c0_i32, %c0_i32_2 : i32, i32, i32, i32
  }
  func.func @transform_4(%arg0: i32, %arg1: i32, %arg2: memref<9x48xi32, #tpu.memory_space<smem>>, %arg3: memref<2x48xi32, #tpu.memory_space<smem>>) -> (i32, i32, i32) {
    %get3A = arith.constant 0 : index
    %get3A_0 = arith.index_cast %arg1 : i32 to index
    %get3A_1 = memref.load %arg2[%get3A, %get3A_0] : memref<9x48xi32, #tpu.memory_space<smem>>
    %c0_i32 = arith.constant 0 : i32
    %c0_i32_2 = arith.constant 0 : i32
    %c0_i32_3 = arith.constant 0 : i32
    return %get3A_1, %c0_i32, %c0_i32_2 : i32, i32, i32
  }
  func.func @transform_5(%arg0: i32, %arg1: i32, %arg2: memref<9x48xi32, #tpu.memory_space<smem>>, %arg3: memref<2x48xi32, #tpu.memory_space<smem>>) -> (i32, i32) {
    %c0_i32 = arith.constant 0 : i32
    %c0_i32_0 = arith.constant 0 : i32
    %c0_i32_1 = arith.constant 0 : i32
    return %c0_i32, %c0_i32_0 : i32, i32
  }
}

</mosaic_0001>

<sc_bundles>
// kernel: kernel.6.cloned.1.call-start
scs
__scs_entry_jumppad:
0x0: {  	(pc) =	sbr.rel $0x88, $3  }
0x1: {  	(tag) =	ssettag $0x0;
	lr =	simm.s32 $0x1  }
0x2: {  	[smem:$0x3F9A] =	sst lr;
	_ =	strace $0xD0000000  }
0x3: {  	_ = 	snop  }
0x4: {  	_ = 	snop  }
0x5: {  	_ = 	snop  }
0x6: {  	_ = 	snop  }
0x7: {  	_ = 	snop  }
__scs_overlays_trampoline_lowered:
0x8: {  	[smem:$0x3FA9] =	sst s0  }
0x9: {  	[smem:$0x3FAA] =	sst s1  }
0xa: {  	[smem:$0x3FAB] =	sst s2  }
0xb: {  	[smem:$0x3FAC] =	sst s3  }
0xc: {  	[smem:$0x3FAD] =	sst s4  }
0xd: {  	[smem:$0x3FAE] =	sst s5  }
0xe: {  	[smem:$0x3FAF] =	sst s6  }
0xf: {  	[smem:$0x3FB0] =	sst s7  }
0x10: {  	[smem:$0x3FB1] =	sst s8  }
0x11: {  	[smem:$0x3FB2] =	sst s9;
	s0 =	simm.s32 @!p0 $0x0  }
0x12: {  	s1 =	sld [smem:$0x3F98];
	s0 =	simm.s32 @p0 $0x1  }
0x13: {  	[smem:$0x3FB3] =	sst s0;
	s0 =	simm.s32 @!p1 $0x0  }
0x14: {  	s2 =	sld [smem:$0x3F97];
	s0 =	simm.s32 @p1 $0x1  }
0x15: {  	[smem:$0x3FB4] =	sst s0;
	s0 =	simm.s32 @!p2 $0x0  }
0x16: {  	s3 =	sld [smem:$0x3FDB];
	s0 =	simm.s32 @p2 $0x1  }
0x17: {  	s4 =	simm.s32 $0x1BF5;
	[smem:$0x3FB6] =	sst s0  }
0x18: {  	s0 =	sld [smem:$0x3F99];
	_ =	swait.ge [sflag:s4], $0x0  }
0x19: {  	s7 =	sld [smem:$0x3F9A]  }
0x1a: {  	s8 =	sadd.s32 $0xFFFFE003, lr  }
0x1b: {  	s9 =	sadd.s32 $0xFFFFFEF7, lr;
	s5 =	simm.s32 $0xFFFFFFFF;
	p2 =	slt.u32 s8, $0xFFFFF086  }
0x1c: {  	p1 =	slt.u32 s9, $0xF7A;
	s5 =	simm.s32 @!p2 $0x0  }
0x1d: {  	s5 =	simm.s32 @p1 $0x1;
	p0 =	seq.s32 s7, s2  }
0x1e: {  	s7 =	smul.u32 @!p0 $0xF7A, s2;
	p2 =	seq.s32 @!p0 s5, $0x0  }
0x1f: {  	s9 =	smul.u32 $0xF7A, s1;
	s8 =	simm.s32 @!p0 $0x1BF5;
	p2 =	por !p2, p0  }
0x20: {  	[sflag:s8] =	ssyncset.s32 @!p0 $0xFFFFF086;
	s6 =	sadd.s32 @!p0 s3, s7;
	s7 =	simm.s32 @!p0 $0x108  }
0x21: {  	s3 =	sadd.s32 s3, s9;
	s6 =	sadd.s32 @!p0 $0x88, s6;
	s7 =	simm.s32 @p2 $0x1082  }
0x22: {  	[simem:s7], [sflag:s8] =	dma.local @!p0 [hbm:s6], $0xF7A  }
0x23: {  	s9 =	sor.u32 $0xD0000000, s2;
	s6 =	simm.s32 $0x108;
	_ =	swait.ge @!p0 [sflag:s8], $0x0  }
0x24: {  	s3 =	sadd.s32 $0x88, s3;
	s6 =	simm.s32 @!p1 $0x1082;
	[sflag:s4] =	ssyncset.s32 $0xFFFFF086  }
0x25: {  	[simem:s6], [sflag:s4] =	dma.local [hbm:s3], $0xF7A  }
0x26: {  	[smem:$0x3F9A] =	sst s1;
	(tag) =	ssettag s2;
	_ =	strace s9  }
0x27: {  	s1 =	sld [smem:$0x3FAA]  }
0x28: {  	s2 =	sld [smem:$0x3FAB]  }
0x29: {  	s4 =	sld [smem:$0x3FAD]  }
0x2a: {  	p0 =	seq.s32 s5, $0x0;
	s5 =	sld [smem:$0x3FAE]  }
0x2b: {  	s6 =	sld [smem:$0x3FAF]  }
0x2c: {  	s7 =	sld [smem:$0x3FB0]  }
0x2d: {  	s3 =	simm.s32 $0x108;
	s8 =	sld [smem:$0x3FB1]  }
0x2e: {  	s3 =	simm.s32 @!p0 $0x1082;
	s9 =	sld [smem:$0x3FB2]  }
0x2f: {  	lr =	sadd.s32 s0, s3;
	s0 =	sld [smem:$0x3FA9]  }
0x30: {  	s3 =	sld [smem:$0x3FAC]  }
0x31: {  	[smem:$0x3FB5] =	sst s10  }
0x32: {  	s10 =	sld [smem:$0x3FB3];
	_ =	sdelay $0x3  }
0x33: {  	p0 =	seq.s32 s10, $0x1;
	s10 =	sld [smem:$0x3FB5];
	_ =	sdelay $0x3  }
0x34: {  	[smem:$0x3FB5] =	sst s10  }
0x35: {  	s10 =	sld [smem:$0x3FB4];
	_ =	sdelay $0x3  }
0x36: {  	p1 =	seq.s32 s10, $0x1;
	s10 =	sld [smem:$0x3FB5];
	_ =	sdelay $0x3  }
0x37: {  	[smem:$0x3FB5] =	sst s10  }
0x38: {  	s10 =	sld [smem:$0x3FB6]  }
0x39: {  	_ = 	snop;
	(pc) =	sbr.ind lr, $3  }
0x3a: {  	_ = 	snop  }
0x3b: {  	_ = 	snop  }
0x3c: {  	p2 =	seq.s32 s10, $0x1;
	s10 =	sld [smem:$0x3FB5]  }
0x3d: {  	_ =	shalt  }
0x3e: {  	_ =	shalt  }
0x3f: {  	_ =	shalt  }
0x40: {  	_ =	shalt  }
0x41: {  	_ =	shalt  }
0x42: {  	_ =	shalt  }
0x43: {  	_ =	shalt  }
0x44: {  	_ =	shalt  }
0x45: {  	_ =	shalt  }
0x46: {  	_ =	shalt  }
0x47: {  	_ =	shalt  }
0x48: {  	_ =	shalt  }
0x49: {  	_ =	shalt  }
0x4a: {  	_ =	shalt  }
0x4b: {  	_ =	shalt  }
0x4c: {  	_ =	shalt  }
0x4d: {  	_ =	shalt  }
0x4e: {  	_ =	shalt  }
0x4f: {  	_ =	shalt  }
0x50: {  	_ =	shalt  }
0x51: {  	_ =	shalt  }
0x52: {  	_ =	shalt  }
0x53: {  	_ =	shalt  }
0x54: {  	_ =	shalt  }
0x55: {  	_ =	shalt  }
0x56: {  	_ =	shalt  }
0x57: {  	_ =	shalt  }
0x58: {  	_ =	shalt  }
0x59: {  	_ =	shalt  }
0x5a: {  	_ =	shalt  }
0x5b: {  	_ =	shalt  }
0x5c: {  	_ =	shalt  }
0x5d: {  	_ =	shalt  }
0x5e: {  	_ =	shalt  }
0x5f: {  	_ =	shalt  }
0x60: {  	_ =	shalt  }
0x61: {  	_ =	shalt  }
0x62: {  	_ =	shalt  }
0x63: {  	_ =	shalt  }
0x64: {  	_ =	shalt  }
0x65: {  	_ =	shalt  }
0x66: {  	_ =	shalt  }
0x67: {  	_ =	shalt  }
0x68: {  	_ =	shalt  }
0x69: {  	_ =	shalt  }
0x6a: {  	_ =	shalt  }
0x6b: {  	_ =	shalt  }
0x6c: {  	_ =	shalt  }
0x6d: {  	_ =	shalt  }
0x6e: {  	_ =	shalt  }
0x6f: {  	_ =	shalt  }
0x70: {  	_ =	shalt  }
0x71: {  	_ =	shalt  }
0x72: {  	_ =	shalt  }
0x73: {  	_ =	shalt  }
0x74: {  	_ =	shalt  }
0x75: {  	_ =	shalt  }
0x76: {  	_ =	shalt  }
0x77: {  	_ =	shalt  }
0x78: {  	_ =	shalt  }
0x79: {  	_ =	shalt  }
0x7a: {  	_ =	shalt  }
0x7b: {  	_ =	shalt  }
0x7c: {  	_ =	shalt  }
0x7d: {  	_ =	shalt  }
0x7e: {  	_ =	shalt  }
0x7f: {  	_ =	shalt  }
0x80: {  	_ =	shalt  }
0x81: {  	_ =	shalt  }
0x82: {  	_ =	shalt  }
0x83: {  	_ =	shalt  }
0x84: {  	_ =	shalt  }
0x85: {  	_ =	shalt  }
0x86: {  	_ =	shalt  }
0x87: {  	_ =	shalt  }
.Lfunc_end0:
.L_simem_size_0:
called_computation_lowered:
.L_overlay_start_0:
0x88: {  	s2 =	sld [smem:$0x3FD9]  }
0x89: {  	s3 =	sld [smem:$0x3FFE];
	_ =	sdelay $0x1  }
0x8a: {  	s1 =	srdreg.scid  }
0x8b: {  	s0 =	sand.u32 $0x1, s1  }
0x8c: {  	s17 =	sshll.u32 s0, $0xA;
	s2 =	sadd.s32 s3, s2  }
0x8d: {  	s2 =	sadd.s32 s2, s17  }
0x8e: {  	[smem:$0x3FC1] =	sst s2  }
0x8f: {  	_ = 	snop  }
0x90: {  	s2 =	sld [smem:$0x3FC9];
	(tm) =	ssettm $0x1  }
0x91: {  	s18 =	sld [smem:$0x3FFB];
	_ =	sdelay $0x3  }
0x92: {  	_ =	strace s18  }
0x93: {  	s3 =	sld [smem:$0x3FFC];
	_ =	sdelay $0x3  }
0x94: {  	_ =	strace s3  }
0x95: {  	s3 =	sld [smem:$0x3FFD];
	_ =	sdelay $0x3  }
0x96: {  	_ =	strace s3  }
0x97: {  	_ =	strace $0x8FFFFFFF  }
0x98: {  	s19 =	sld [smem:$0x3FDB];
	_ =	sdelay $0x1  }
0x99: {  	s4 =	simm.s32 $_scs_section_size  }
0x9a: {  	s5 =	simm.s32 $_size__tile_overlayer_lowered;
	s6 =	simm.s32 $_tile_overlayer_lowered  }
0x9b: {  	s22 =	simm.s32 $0x1BFF;
	s21 =	sshll.u32 s6, $0x1;
	s3 =	sadd.s32 s4, s19  }
0x9c: {  	s7 =	simm.s32 $0x0;
	s20 =	sshll.u32 s5, $0x1;
	s5 =	sadd.s32 s21, s3  }
0x9d: {  	[timem:s7], [sflag:s22] =	dma.local [hbm:s5], s20  }
0x9e: {  	_ =	swait.ge [sflag:s22], s20  }
0x9f: {  	s4 =	ssub.s32 $0x0, s20;
	[sflag:s22] =	ssyncset.done $0x0  }
0xa0: {  	[sflag:s22] =	ssyncadd.s32 s4;
	_ =	sdelay $0x1  }
0xa1: {  	s23 =	simm.s32 $0x1B8B  }
0xa2: {  	_ =	swait.ge [sflag:s23], $0x1  }
0xa3: {  	[sflag:s23] =	ssyncset.done $0x0  }
0xa4: {  	s25 =	simm.s32 $0x1B8E;
	s24 =	sld [smem:$0x3FFE];
	[sflag:s23] =	ssyncadd.s32 $0xFFFFFFFF  }
0xa5: {  	s26 =	simm.s32 $execute0_lowered;
	[smem:$0x3FD2] =	sst s25  }
0xa6: {  	s5 =	sshll.u32 s26, $0x1;
	_ =	strace $0x80000046;
	[dreg:$0x1] =	wrdreg $0xFFFFFFFF  }
0xa7: {  	s28 =	simm.s32 $_size_execute0_lowered;
	s3 =	sadd.s32 s3, s5;
	[dreg:$0x0] =	wrdreg $0x0  }
0xa8: {  	s5 =	sshll.u32 s28, $0x1;
	[dreg:$0x2] =	wrdreg s3  }
0xa9: {  	[dreg:$0x3] =	wrdreg s5  }
0xaa: {  	[dreg:$0x4] =	wrdreg $0xC0  }
0xab: {  	_ =	task [dreg:s7], $0x5FFFF  }
0xac: {  	[dreg:$0x1] =	wrdreg $0xFFFFFFFF  }
0xad: {  	[dreg:$0x0] =	wrdreg $0x60  }
0xae: {  	[dreg:$0x2] =	wrdreg s2  }
0xaf: {  	[dreg:$0x3] =	wrdreg s24  }
0xb0: {  	[dreg:$0x4] =	wrdreg $0x9  }
0xb1: {  	_ =	task.clear_ibuf [dreg:s7], $0x5FFFF;
	_ =	strace $0x90000046  }
0xb2: {  	s29 =	simm.s32 $0x9;
	_ =	strace $0x80000048  }
0xb3: {  	_ =	swait.ge [sflag:s29], $0x1  }
0xb4: {  	[sflag:s29] =	ssyncadd.s32 $0xFFFFFFFF  }
0xb5: {  	_ =	strace $0x90000048  }
0xb6: {  	_ =	sfence  }
0xb7: {  	s30 =	sld [smem:$0x0];
	_ =	sdelay $0x2  }
0xb8: {  	s31 =	sshll.u32 s1, $0xD;
	s1 =	sshrl.u32 s1, $0x2  }
0xb9: {  	s3 =	sand.u32 $0x4000, s31;
	s1 =	sadd.s32 s1, s30  }
0xba: {  	s0 =	sor.u32 s3, s0;
	s1 =	sshll.u32 s1, $0x11  }
0xbb: {  	s0 =	sor.u32 s1, s0  }
0xbc: {  	s0 =	sadd.s32 $0x8F2B, s0  }
0xbd: {  	[sflag:s0] =	ssyncadd.remote.s32 $0x1  }
0xbe: {  	_ =	sfence.sel $0xFFFF  }
0xbf: {  	[dreg:$0x0] =	wrdreg $0xFFFFFFFF;
	(pc) =	sbr.abs _section_cstart, $3  }
0xc0: {  	[dreg:$0x1] =	wrdreg $0xFFFFFFFF  }
0xc1: {  	_ =	task.clear_ibuf [dreg:s7], $0x2FFFF;
	_ =	strace $0x9FFFFFFF  }
0xc2: {  	(tm) =	ssettm $0x7FFFFFFF  }
0xc3: {  	_ =	shalt  }
tec
execute0_lowered:
.L_overlay_start_1:
0x0: {  	(tag) =	ssettag $0x1  }
0x1: {  	s0 =	rddreg [dreg:$0x0]  }
0x2: {  	s1 =	rddreg [dreg:$0x1];
	s3 =	srdreg.scid  }
0x3: {  	s2 =	simm.s32 $0x0;
	s5 =	stileid.u32;
	s14 =	simm.s32 $0x1  }
0x4: {  	s15 =	simm.s32 $0x900;
	s16 =	simm.s32 $0x1100;
	s17 =	simm.s32 $0x1900  }
0x5: {  	s18 =	simm.s32 $0x2100;
	s19 =	simm.s32 $0x2900;
	s28 =	simm.s32 $0x6900  }
0x6: {  	s29 =	simm.s32 $0x7100;
	s30 =	simm.s32 $0x7900;
	s4 =	sand.u32 $0x1, s3  }
0x7: {  	[smem:$0x7FF] =	sst s2;
	s20 =	sshll.u32 s5, $0x7;
	s9 =	sadd.s32 $0xA00, s1  }
0x8: {  	s3 =	sadd.s32 $0xC00, s1;
	s21 =	sshll.u32 s4, $0x6;
	s4 =	ssub.s32 $0x2, s4  }
0x9: {  	_ =	strace $0x80000047;
	s10 =	sor.u32 s21, s20;
	s6 =	sshrl.u32 s4, $0x1  }
0xa: {  	s20 =	simm.s32 $0x3100;
	s21 =	simm.s32 $0x3900;
	s5 =	sshrl.u32 s10, $0x3  }
0xb: {  	s7 =	sshll.u32 s10, $0x8;
	s11 =	ssub.s32 s4, s6;
	s4 =	sadd.s32 $0xD00, s1  }
0xc: {  	s8 =	sor.u32 $0x10, s10;
	s6 =	sadd.s32 $0xF00, s1;
	s13 =	sor.u32 $0x20, s10  }
0xd: {  	s10 =	sor.u32 $0x30, s10;
	s5 =	sadd.s32 s9, s5;
	s22 =	sadd.s32 s0, s7  }
0xe: {  	s12 =	sshrl.u32 s8, $0x3;
	s7 =	sadd.s32 $0x1000, s1;
	s8 =	sshll.u32 s8, $0x8  }
0xf: {  	s24 =	sshrl.u32 s13, $0x3;
	s13 =	sshll.u32 s13, $0x8;
	s26 =	sshrl.u32 s10, $0x3  }
0x10: {  	s10 =	sshll.u32 s10, $0x8;
	s11 =	smax.u32 s11, $0x1;
	[dreg:$0x3] =	wrdreg s5  }
0x11: {  	[dreg:$0x4] =	wrdreg s22;
	s5 =	sadd.s32 $0xE00, s1;
	s12 =	sadd.s32 s9, s12  }
0x12: {  	s23 =	sadd.s32 s0, s8;
	s8 =	sadd.s32 $0x1100, s1;
	[dreg:$0x5] =	wrdreg s12  }
0x13: {  	s25 =	sadd.s32 s0, s13;
	s31 =	sadd.s32 s9, s26;
	[dreg:$0x6] =	wrdreg s23  }
0x14: {  	s0 =	sadd.s32 s0, s10;
	s10 =	sadd.s32 $0x1300, s1;
	[dreg:$0x8] =	wrdreg s25  }
0x15: {  	s22 =	simm.s32 $0x4100;
	s26 =	simm.s32 $0x6100;
	[dreg:$0x9] =	wrdreg s31  }
0x16: {  	v2 =	vlaneseq.u32;
	s12 =	sadd.s32 s9, s24;
	s9 =	sadd.s32 $0x1200, s1;
	[dreg:$0xa] =	wrdreg s0  }
0x17: {  	vm0 =	vmmov $0xffff;
	v1 =	vshrl.u32 v2, $0x3;
	s1 =	simm.s32 $0x2;
	s23 =	simm.s32 $0x4900;
	s24 =	simm.s32 $0x5100  }
0x18: {  	v0 =	vand.u32 $0x7, v2;
	v2 =	vor.u32 $0x8, v2;
	v1 =	vmul.u32 $0x8, v1;
	s25 =	simm.s32 $0x5900;
	[dreg:$0x7] =	wrdreg s12;
	s12 =	simm.s32 $0x3  }
.LBB2_1:
0x19: {  	s31 =	rddreg [dreg:$0x3]  }
0x1a: {  	[tilespmem:s2], [sflag:$0x3] =	stream.linear.gather [hbm4b:s31+s2], $0x10, $0x38;
	[tilespmem:$0x10100] =	vst v63  }
0x1b: {  	_ =	swait.ge [sflag:s12], $0x10  }
0x1c: {  	[sflag:s12] =	ssyncset.done $0x0  }
0x1d: {  	s0 =	simm.s32 $0x100;
	s13 =	rddreg [dreg:$0x4];
	[sflag:s12] =	ssyncadd.s32 $0xFFFFFFF0  }
0x1e: {  	[tilespmem:s0], [sflag:$0x1] =	stream.linear.gather [hbm4b:s13+s2], $0x8000, $0x38;
	[tilespmem:$0x10100] =	vst v63  }
0x1f: {  	_ =	swait.ge [sflag:s14], $0x8000  }
0x20: {  	[sflag:s14] =	ssyncset.done $0x0  }
0x21: {  	[sflag:s14] =	ssyncadd.s32 $0xFFFF8000  }
0x22: {  	v3 =	vld [tilespmem:$0x0];
	_ =	sdelay $0x4  }
0x23: {  	v4 =	vshll.u32 v3, $0x4  }
0x24: {  	v3 =	vand.u32 $0x7, v3;
	v4 =	vand.u32 $0xFFFFFF80, v4  }
0x25: {  	v3 =	vor.u32 v3, v4  }
0x26: {  	v4 =	vperm.xlane v3, v0;
	_ =	sdelay $0x1  }
0x27: {  	v4 =	vadd.s32 v1, v4;
	_ =	sdelay $0x4  }
0x28: {  	[hbm4b:s3+s2] =	stream.indirect_vreg.scatter [tilespmem:s0], [sflag:$0x1], $0x80, v4, vm0, $0xb8;
	[tilespmem:$0x10100] =	vst v63  }
0x29: {  	_ = 	snop  }
0x2a: {  	[hbm4b:s4+s2] =	stream.indirect_vreg.scatter [tilespmem:s15], [sflag:$0x1], $0x80, v4, vm0, $0xb8;
	[tilespmem:$0x10100] =	vst v63  }
0x2b: {  	_ = 	snop  }
0x2c: {  	[hbm4b:s5+s2] =	stream.indirect_vreg.scatter [tilespmem:s16], [sflag:$0x1], $0x80, v4, vm0, $0xb8;
	[tilespmem:$0x10100] =	vst v63  }
0x2d: {  	_ = 	snop  }
0x2e: {  	[hbm4b:s6+s2] =	stream.indirect_vreg.scatter [tilespmem:s17], [sflag:$0x1], $0x80, v4, vm0, $0xb8;
	[tilespmem:$0x10100] =	vst v63  }
0x2f: {  	_ = 	snop  }
0x30: {  	[hbm4b:s7+s2] =	stream.indirect_vreg.scatter [tilespmem:s18], [sflag:$0x1], $0x80, v4, vm0, $0xb8;
	[tilespmem:$0x10100] =	vst v63  }
0x31: {  	v3 =	vperm.xlane v3, v2  }
0x32: {  	[hbm4b:s8+s2] =	stream.indirect_vreg.scatter [tilespmem:s19], [sflag:$0x1], $0x80, v4, vm0, $0xb8;
	[tilespmem:$0x10100] =	vst v63  }
0x33: {  	v3 =	vadd.s32 v1, v3  }
0x34: {  	[hbm4b:s9+s2] =	stream.indirect_vreg.scatter [tilespmem:s20], [sflag:$0x1], $0x80, v4, vm0, $0xb8;
	[tilespmem:$0x10100] =	vst v63  }
0x35: {  	_ = 	snop  }
0x36: {  	[hbm4b:s10+s2] =	stream.indirect_vreg.scatter [tilespmem:s21], [sflag:$0x1], $0x80, v4, vm0, $0xb8;
	[tilespmem:$0x10100] =	vst v63  }
0x37: {  	_ = 	snop  }
0x38: {  	[hbm4b:s3+s2] =	stream.indirect_vreg.scatter [tilespmem:s22], [sflag:$0x1], $0x80, v3, vm0, $0xb8;
	[tilespmem:$0x10100] =	vst v63  }
0x39: {  	_ = 	snop  }
0x3a: {  	[hbm4b:s4+s2] =	stream.indirect_vreg.scatter [tilespmem:s23], [sflag:$0x1], $0x80, v3, vm0, $0xb8;
	[tilespmem:$0x10100] =	vst v63  }
0x3b: {  	_ = 	snop  }
0x3c: {  	[hbm4b:s5+s2] =	stream.indirect_vreg.scatter [tilespmem:s24], [sflag:$0x1], $0x80, v3, vm0, $0xb8;
	[tilespmem:$0x10100] =	vst v63  }
0x3d: {  	_ = 	snop  }
0x3e: {  	[hbm4b:s6+s2] =	stream.indirect_vreg.scatter [tilespmem:s25], [sflag:$0x1], $0x80, v3, vm0, $0xb8;
	[tilespmem:$0x10100] =	vst v63  }
0x3f: {  	_ = 	snop  }
0x40: {  	[hbm4b:s7+s2] =	stream.indirect_vreg.scatter [tilespmem:s26], [sflag:$0x1], $0x80, v3, vm0, $0xb8;
	[tilespmem:$0x10100] =	vst v63  }
0x41: {  	_ = 	snop  }
0x42: {  	[hbm4b:s8+s2] =	stream.indirect_vreg.scatter [tilespmem:s28], [sflag:$0x1], $0x80, v3, vm0, $0xb8;
	[tilespmem:$0x10100] =	vst v63  }
0x43: {  	_ = 	snop  }
0x44: {  	[hbm4b:s9+s2] =	stream.indirect_vreg.scatter [tilespmem:s29], [sflag:$0x1], $0x80, v3, vm0, $0xb8;
	[tilespmem:$0x10100] =	vst v63  }
0x45: {  	_ = 	snop  }
0x46: {  	[hbm4b:s10+s2] =	stream.indirect_vreg.scatter [tilespmem:s30], [sflag:$0x1], $0x80, v3, vm0, $0xb8;
	[tilespmem:$0x10100] =	vst v63  }
0x47: {  	_ =	swait.ge [sflag:s14], $0x8000  }
0x48: {  	[sflag:s14] =	ssyncset.done $0x0  }
0x49: {  	s13 =	simm.s32 $0x80;
	s31 =	rddreg [dreg:$0x5];
	[sflag:s14] =	ssyncadd.s32 $0xFFFF8000  }
0x4a: {  	[tilespmem:s13], [sflag:$0x3] =	stream.linear.gather [hbm4b:s31+s2], $0x10, $0x38;
	[tilespmem:$0x10100] =	vst v63  }
0x4b: {  	_ =	swait.ge [sflag:s12], $0x10  }
0x4c: {  	[sflag:s12] =	ssyncset.done $0x0  }
0x4d: {  	s13 =	simm.s32 $0x8100;
	s31 =	rddreg [dreg:$0x6];
	[sflag:s12] =	ssyncadd.s32 $0xFFFFFFF0  }
0x4e: {  	[tilespmem:s13], [sflag:$0x2] =	stream.linear.gather [hbm4b:s31+s2], $0x8000, $0x38;
	[tilespmem:$0x10100] =	vst v63  }
0x4f: {  	_ =	swait.ge [sflag:s1], $0x8000  }
0x50: {  	[sflag:s1] =	ssyncset.done $0x0  }
0x51: {  	[sflag:s1] =	ssyncadd.s32 $0xFFFF8000  }
0x52: {  	v3 =	vld [tilespmem:$0x80];
	_ =	sdelay $0x4  }
0x53: {  	v61 =	vshll.u32 v3, $0x4  }
0x54: {  	v3 =	vand.u32 $0x7, v3;
	v4 =	vand.u32 $0xFFFFFF80, v61  }
0x55: {  	v3 =	vor.u32 v3, v4  }
0x56: {  	v4 =	vperm.xlane v3, v0;
	_ =	sdelay $0x1  }
0x57: {  	v4 =	vadd.s32 v1, v4;
	_ =	sdelay $0x4  }
0x58: {  	[hbm4b:s3+s2] =	stream.indirect_vreg.scatter [tilespmem:s13], [sflag:$0x2], $0x80, v4, vm0, $0xb8;
	[tilespmem:$0x10100] =	vst v63  }
0x59: {  	s31 =	simm.s32 $0x8900  }
0x5a: {  	[hbm4b:s4+s2] =	stream.indirect_vreg.scatter [tilespmem:s31], [sflag:$0x2], $0x80, v4, vm0, $0xb8;
	[tilespmem:$0x10100] =	vst v63  }
0x5b: {  	s31 =	simm.s32 $0x9100  }
0x5c: {  	[hbm4b:s5+s2] =	stream.indirect_vreg.scatter [tilespmem:s31], [sflag:$0x2], $0x80, v4, vm0, $0xb8;
	[tilespmem:$0x10100] =	vst v63  }
0x5d: {  	s31 =	simm.s32 $0x9900  }
0x5e: {  	[hbm4b:s6+s2] =	stream.indirect_vreg.scatter [tilespmem:s31], [sflag:$0x2], $0x80, v4, vm0, $0xb8;
	[tilespmem:$0x10100] =	vst v63  }
0x5f: {  	s31 =	simm.s32 $0xA100  }
0x60: {  	[hbm4b:s7+s2] =	stream.indirect_vreg.scatter [tilespmem:s31], [sflag:$0x2], $0x80, v4, vm0, $0xb8;
	[tilespmem:$0x10100] =	vst v63  }
0x61: {  	v3 =	vperm.xlane v3, v2;
	s31 =	simm.s32 $0xA900  }
0x62: {  	[hbm4b:s8+s2] =	stream.indirect_vreg.scatter [tilespmem:s31], [sflag:$0x2], $0x80, v4, vm0, $0xb8;
	[tilespmem:$0x10100] =	vst v63  }
0x63: {  	v3 =	vadd.s32 v1, v3;
	s31 =	simm.s32 $0xB100  }
0x64: {  	[hbm4b:s9+s2] =	stream.indirect_vreg.scatter [tilespmem:s31], [sflag:$0x2], $0x80, v4, vm0, $0xb8;
	[tilespmem:$0x10100] =	vst v63  }
0x65: {  	s31 =	simm.s32 $0xB900  }
0x66: {  	[hbm4b:s10+s2] =	stream.indirect_vreg.scatter [tilespmem:s31], [sflag:$0x2], $0x80, v4, vm0, $0xb8;
	[tilespmem:$0x10100] =	vst v63  }
0x67: {  	s31 =	simm.s32 $0xC100  }
0x68: {  	[hbm4b:s3+s2] =	stream.indirect_vreg.scatter [tilespmem:s31], [sflag:$0x2], $0x80, v3, vm0, $0xb8;
	[tilespmem:$0x10100] =	vst v63  }
0x69: {  	s31 =	simm.s32 $0xC900  }
0x6a: {  	[hbm4b:s4+s2] =	stream.indirect_vreg.scatter [tilespmem:s31], [sflag:$0x2], $0x80, v3, vm0, $0xb8;
	[tilespmem:$0x10100] =	vst v63  }
0x6b: {  	s31 =	simm.s32 $0xD100  }
0x6c: {  	[hbm4b:s5+s2] =	stream.indirect_vreg.scatter [tilespmem:s31], [sflag:$0x2], $0x80, v3, vm0, $0xb8;
	[tilespmem:$0x10100] =	vst v63  }
0x6d: {  	s31 =	simm.s32 $0xD900  }
0x6e: {  	[hbm4b:s6+s2] =	stream.indirect_vreg.scatter [tilespmem:s31], [sflag:$0x2], $0x80, v3, vm0, $0xb8;
	[tilespmem:$0x10100] =	vst v63  }
0x6f: {  	s31 =	simm.s32 $0xE100  }
0x70: {  	[hbm4b:s7+s2] =	stream.indirect_vreg.scatter [tilespmem:s31], [sflag:$0x2], $0x80, v3, vm0, $0xb8;
	[tilespmem:$0x10100] =	vst v63  }
0x71: {  	s31 =	simm.s32 $0xE900  }
0x72: {  	[hbm4b:s8+s2] =	stream.indirect_vreg.scatter [tilespmem:s31], [sflag:$0x2], $0x80, v3, vm0, $0xb8;
	[tilespmem:$0x10100] =	vst v63  }
0x73: {  	s31 =	simm.s32 $0xF100  }
0x74: {  	[hbm4b:s9+s2] =	stream.indirect_vreg.scatter [tilespmem:s31], [sflag:$0x2], $0x80, v3, vm0, $0xb8;
	[tilespmem:$0x10100] =	vst v63  }
0x75: {  	s31 =	simm.s32 $0xF900  }
0x76: {  	[hbm4b:s10+s2] =	stream.indirect_vreg.scatter [tilespmem:s31], [sflag:$0x2], $0x80, v3, vm0, $0xb8;
	[tilespmem:$0x10100] =	vst v63  }
0x77: {  	_ =	swait.ge [sflag:s1], $0x8000  }
0x78: {  	[sflag:s1] =	ssyncset.done $0x0  }
0x79: {  	s31 =	rddreg [dreg:$0x7];
	[sflag:s1] =	ssyncadd.s32 $0xFFFF8000  }
0x7a: {  	[tilespmem:s2], [sflag:$0x3] =	stream.linear.gather [hbm4b:s31+s2], $0x10, $0x38;
	[tilespmem:$0x10100] =	vst v63  }
0x7b: {  	_ =	swait.ge [sflag:s12], $0x10  }
0x7c: {  	[sflag:s12] =	ssyncset.done $0x0  }
0x7d: {  	s31 =	rddreg [dreg:$0x8];
	[sflag:s12] =	ssyncadd.s32 $0xFFFFFFF0  }
0x7e: {  	[tilespmem:s0], [sflag:$0x1] =	stream.linear.gather [hbm4b:s31+s2], $0x8000, $0x38;
	[tilespmem:$0x10100] =	vst v63  }
0x7f: {  	_ =	swait.ge [sflag:s14], $0x8000  }
0x80: {  	[sflag:s14] =	ssyncset.done $0x0  }
0x81: {  	[sflag:s14] =	ssyncadd.s32 $0xFFFF8000  }
0x82: {  	v3 =	vld [tilespmem:$0x0];
	_ =	sdelay $0x4  }
0x83: {  	v62 =	vshll.u32 v3, $0x4  }
0x84: {  	v3 =	vand.u32 $0x7, v3;
	v4 =	vand.u32 $0xFFFFFF80, v62  }
0x85: {  	v3 =	vor.u32 v3, v4  }
0x86: {  	v4 =	vperm.xlane v3, v0;
	_ =	sdelay $0x1  }
0x87: {  	v4 =	vadd.s32 v1, v4;
	_ =	sdelay $0x4  }
0x88: {  	[hbm4b:s3+s2] =	stream.indirect_vreg.scatter [tilespmem:s0], [sflag:$0x1], $0x80, v4, vm0, $0xb8;
	[tilespmem:$0x10100] =	vst v63  }
0x89: {  	_ = 	snop  }
0x8a: {  	[hbm4b:s4+s2] =	stream.indirect_vreg.scatter [tilespmem:s15], [sflag:$0x1], $0x80, v4, vm0, $0xb8;
	[tilespmem:$0x10100] =	vst v63  }
0x8b: {  	_ = 	snop  }
0x8c: {  	[hbm4b:s5+s2] =	stream.indirect_vreg.scatter [tilespmem:s16], [sflag:$0x1], $0x80, v4, vm0, $0xb8;
	[tilespmem:$0x10100] =	vst v63  }
0x8d: {  	_ = 	snop  }
0x8e: {  	[hbm4b:s6+s2] =	stream.indirect_vreg.scatter [tilespmem:s17], [sflag:$0x1], $0x80, v4, vm0, $0xb8;
	[tilespmem:$0x10100] =	vst v63  }
0x8f: {  	_ = 	snop  }
0x90: {  	[hbm4b:s7+s2] =	stream.indirect_vreg.scatter [tilespmem:s18], [sflag:$0x1], $0x80, v4, vm0, $0xb8;
	[tilespmem:$0x10100] =	vst v63  }
0x91: {  	v3 =	vperm.xlane v3, v2  }
0x92: {  	[hbm4b:s8+s2] =	stream.indirect_vreg.scatter [tilespmem:s19], [sflag:$0x1], $0x80, v4, vm0, $0xb8;
	[tilespmem:$0x10100] =	vst v63  }
0x93: {  	v3 =	vadd.s32 v1, v3  }
0x94: {  	[hbm4b:s9+s2] =	stream.indirect_vreg.scatter [tilespmem:s20], [sflag:$0x1], $0x80, v4, vm0, $0xb8;
	[tilespmem:$0x10100] =	vst v63  }
0x95: {  	_ = 	snop  }
0x96: {  	[hbm4b:s10+s2] =	stream.indirect_vreg.scatter [tilespmem:s21], [sflag:$0x1], $0x80, v4, vm0, $0xb8;
	[tilespmem:$0x10100] =	vst v63  }
0x97: {  	_ = 	snop  }
0x98: {  	[hbm4b:s3+s2] =	stream.indirect_vreg.scatter [tilespmem:s22], [sflag:$0x1], $0x80, v3, vm0, $0xb8;
	[tilespmem:$0x10100] =	vst v63  }
0x99: {  	_ = 	snop  }
0x9a: {  	[hbm4b:s4+s2] =	stream.indirect_vreg.scatter [tilespmem:s23], [sflag:$0x1], $0x80, v3, vm0, $0xb8;
	[tilespmem:$0x10100] =	vst v63  }
0x9b: {  	_ = 	snop  }
0x9c: {  	[hbm4b:s5+s2] =	stream.indirect_vreg.scatter [tilespmem:s24], [sflag:$0x1], $0x80, v3, vm0, $0xb8;
	[tilespmem:$0x10100] =	vst v63  }
0x9d: {  	_ = 	snop  }
0x9e: {  	[hbm4b:s6+s2] =	stream.indirect_vreg.scatter [tilespmem:s25], [sflag:$0x1], $0x80, v3, vm0, $0xb8;
	[tilespmem:$0x10100] =	vst v63  }
0x9f: {  	_ = 	snop  }
0xa0: {  	[hbm4b:s7+s2] =	stream.indirect_vreg.scatter [tilespmem:s26], [sflag:$0x1], $0x80, v3, vm0, $0xb8;
	[tilespmem:$0x10100] =	vst v63  }
0xa1: {  	_ = 	snop  }
0xa2: {  	[hbm4b:s8+s2] =	stream.indirect_vreg.scatter [tilespmem:s28], [sflag:$0x1], $0x80, v3, vm0, $0xb8;
	[tilespmem:$0x10100] =	vst v63  }
0xa3: {  	_ = 	snop  }
0xa4: {  	[hbm4b:s9+s2] =	stream.indirect_vreg.scatter [tilespmem:s29], [sflag:$0x1], $0x80, v3, vm0, $0xb8;
	[tilespmem:$0x10100] =	vst v63  }
0xa5: {  	_ = 	snop  }
0xa6: {  	[hbm4b:s10+s2] =	stream.indirect_vreg.scatter [tilespmem:s30], [sflag:$0x1], $0x80, v3, vm0, $0xb8;
	[tilespmem:$0x10100] =	vst v63  }
0xa7: {  	_ =	swait.ge [sflag:s14], $0x8000  }
0xa8: {  	[sflag:s14] =	ssyncset.done $0x0  }
0xa9: {  	s0 =	simm.s32 $0x80;
	s31 =	rddreg [dreg:$0x9];
	[sflag:s14] =	ssyncadd.s32 $0xFFFF8000  }
0xaa: {  	[tilespmem:s0], [sflag:$0x3] =	stream.linear.gather [hbm4b:s31+s2], $0x10, $0x38;
	[tilespmem:$0x10100] =	vst v63  }
0xab: {  	_ =	swait.ge [sflag:s12], $0x10  }
0xac: {  	[sflag:s12] =	ssyncset.done $0x0  }
0xad: {  	s0 =	rddreg [dreg:$0xa];
	[sflag:s12] =	ssyncadd.s32 $0xFFFFFFF0  }
0xae: {  	[tilespmem:s13], [sflag:$0x2] =	stream.linear.gather [hbm4b:s0+s2], $0x8000, $0x38;
	[tilespmem:$0x10100] =	vst v63  }
0xaf: {  	_ =	swait.ge [sflag:s1], $0x8000  }
0xb0: {  	[sflag:s1] =	ssyncset.done $0x0  }
0xb1: {  	[sflag:s1] =	ssyncadd.s32 $0xFFFF8000  }
0xb2: {  	v3 =	vld [tilespmem:$0x80];
	_ =	sdelay $0x4  }
0xb3: {  	v63 =	vshll.u32 v3, $0x4  }
0xb4: {  	v3 =	vand.u32 $0x7, v3;
	v4 =	vand.u32 $0xFFFFFF80, v63  }
0xb5: {  	v3 =	vor.u32 v3, v4  }
0xb6: {  	v4 =	vperm.xlane v3, v0;
	_ =	sdelay $0x1  }
0xb7: {  	v4 =	vadd.s32 v1, v4;
	_ =	sdelay $0x4  }
0xb8: {  	[hbm4b:s3+s2] =	stream.indirect_vreg.scatter [tilespmem:s13], [sflag:$0x2], $0x80, v4, vm0, $0xb8;
	[tilespmem:$0x10100] =	vst v63  }
0xb9: {  	s31 =	simm.s32 $0x8900  }
0xba: {  	[hbm4b:s4+s2] =	stream.indirect_vreg.scatter [tilespmem:s31], [sflag:$0x2], $0x80, v4, vm0, $0xb8;
	[tilespmem:$0x10100] =	vst v63  }
0xbb: {  	s13 =	simm.s32 $0x9100  }
0xbc: {  	[hbm4b:s5+s2] =	stream.indirect_vreg.scatter [tilespmem:s13], [sflag:$0x2], $0x80, v4, vm0, $0xb8;
	[tilespmem:$0x10100] =	vst v63  }
0xbd: {  	s31 =	simm.s32 $0x9900  }
0xbe: {  	[hbm4b:s6+s2] =	stream.indirect_vreg.scatter [tilespmem:s31], [sflag:$0x2], $0x80, v4, vm0, $0xb8;
	[tilespmem:$0x10100] =	vst v63  }
0xbf: {  	s13 =	simm.s32 $0xA100  }
0xc0: {  	[hbm4b:s7+s2] =	stream.indirect_vreg.scatter [tilespmem:s13], [sflag:$0x2], $0x80, v4, vm0, $0xb8;
	[tilespmem:$0x10100] =	vst v63  }
0xc1: {  	v3 =	vperm.xlane v3, v2;
	s31 =	simm.s32 $0xA900  }
0xc2: {  	[hbm4b:s8+s2] =	stream.indirect_vreg.scatter [tilespmem:s31], [sflag:$0x2], $0x80, v4, vm0, $0xb8;
	[tilespmem:$0x10100] =	vst v63  }
0xc3: {  	v3 =	vadd.s32 v1, v3;
	s13 =	simm.s32 $0xB100  }
0xc4: {  	[hbm4b:s9+s2] =	stream.indirect_vreg.scatter [tilespmem:s13], [sflag:$0x2], $0x80, v4, vm0, $0xb8;
	[tilespmem:$0x10100] =	vst v63  }
0xc5: {  	s31 =	simm.s32 $0xB900  }
0xc6: {  	[hbm4b:s10+s2] =	stream.indirect_vreg.scatter [tilespmem:s31], [sflag:$0x2], $0x80, v4, vm0, $0xb8;
	[tilespmem:$0x10100] =	vst v63  }
0xc7: {  	s13 =	simm.s32 $0xC100  }
0xc8: {  	[hbm4b:s3+s2] =	stream.indirect_vreg.scatter [tilespmem:s13], [sflag:$0x2], $0x80, v3, vm0, $0xb8;
	[tilespmem:$0x10100] =	vst v63  }
0xc9: {  	s31 =	simm.s32 $0xC900  }
0xca: {  	[hbm4b:s4+s2] =	stream.indirect_vreg.scatter [tilespmem:s31], [sflag:$0x2], $0x80, v3, vm0, $0xb8;
	[tilespmem:$0x10100] =	vst v63  }
0xcb: {  	s13 =	simm.s32 $0xD100  }
0xcc: {  	[hbm4b:s5+s2] =	stream.indirect_vreg.scatter [tilespmem:s13], [sflag:$0x2], $0x80, v3, vm0, $0xb8;
	[tilespmem:$0x10100] =	vst v63  }
0xcd: {  	s31 =	simm.s32 $0xD900  }
0xce: {  	[hbm4b:s6+s2] =	stream.indirect_vreg.scatter [tilespmem:s31], [sflag:$0x2], $0x80, v3, vm0, $0xb8;
	[tilespmem:$0x10100] =	vst v63  }
0xcf: {  	s13 =	simm.s32 $0xE100  }
0xd0: {  	[hbm4b:s7+s2] =	stream.indirect_vreg.scatter [tilespmem:s13], [sflag:$0x2], $0x80, v3, vm0, $0xb8;
	[tilespmem:$0x10100] =	vst v63  }
0xd1: {  	s31 =	simm.s32 $0xE900  }
0xd2: {  	[hbm4b:s8+s2] =	stream.indirect_vreg.scatter [tilespmem:s31], [sflag:$0x2], $0x80, v3, vm0, $0xb8;
	[tilespmem:$0x10100] =	vst v63  }
0xd3: {  	p0 =	sne.s32 s11, $0x1;
	s13 =	simm.s32 $0xF100  }
0xd4: {  	[hbm4b:s9+s2] =	stream.indirect_vreg.scatter [tilespmem:s13], [sflag:$0x2], $0x80, v3, vm0, $0xb8;
	[tilespmem:$0x10100] =	vst v63  }
.Ltmp0:
0xd5: {  	s31 =	simm.s32 $0xF900;
	(pc) =	sbr.rel @p0 .LBB2_1-.Ltmp0, $4  }
0xd6: {  	[hbm4b:s10+s2] =	stream.indirect_vreg.scatter [tilespmem:s31], [sflag:$0x2], $0x80, v3, vm0, $0xb8;
	[tilespmem:$0x10100] =	vst v63  }
0xd7: {  	_ =	swait.ge [sflag:s1], $0x8000  }
0xd8: {  	[sflag:s1] =	ssyncset.done $0x0  }
0xd9: {  	s11 =	sadd.s32 $0xFFFFFFFF, s11;
	[sflag:s1] =	ssyncadd.s32 $0xFFFF8000  }
0xda: {  	_ =	sfence.sel $0x180000  }
0xdb: {  	[bflag:$0x0] =	sbarrier.arrive $0xFFFF  }
0xdc: {  	_ =	strace $0x90000047  }
0xdd: {  	s0 =	stileid.u32;
	[bflag:$0x2] =	sbarrier.arrive $0xFFFF  }
0xde: {  	p0 =	sne.s32 s0, $0x0;
	s0 =	rddreg [dreg:$0x2]  }
0xdf: {  	s0 =	sadd.s32 @!p0 $0x100000, s0  }
0xe0: {  	[sflag:s0] =	ssyncadd.tile.s32 @!p0 $0x1;
	_ =	shalt  }
.Lfunc_end2:
_tile_overlayer_lowered:
.L_overlay_start_2:
0xe1: {  	(tag) =	ssettag $0x2  }
0xe2: {  	s0 =	rddreg [dreg:$0x0];
	s2 =	stileid.u32  }
0xe3: {  	s1 =	rddreg [dreg:$0x1];
	p0 =	sne.s32 s2, $0x0  }
0xe4: {  	s3 =	rddreg [dreg:$0x2];
	[bflag:$0x3] =	sbarrier.arrive $0xFFFF;
	s2 =	simm.s32 @!p0 $0x1C03  }
0xe5: {  	[timem:s3], [sflag:s2] =	dma.local @!p0 [hbm:s0], s1  }
0xe6: {  	s0 =	simm.s32 @!p0 $0x3  }
0xe7: {  	_ =	swait.ge @!p0 [sflag:s0], s1  }
0xe8: {  	s1 =	ssub.s32 @!p0 $0x0, s1;
	[sflag:s0] =	ssyncset.done @!p0 $0x0  }
0xe9: {  	[sflag:s0] =	ssyncadd.s32 @!p0 s1  }
0xea: {  	[bflag:$0x3] =	sbarrier.arrive $0xFFFF  }
0xeb: {  	_ =	shalt  }

// kernel: kernel.9.cloned.1.call-start
scs
__scs_entry_jumppad:
0x0: {  	(pc) =	sbr.rel $0x88, $3  }
0x1: {  	(tag) =	ssettag $0x0;
	lr =	simm.s32 $0x1  }
0x2: {  	[smem:$0x3F9A] =	sst lr;
	_ =	strace $0xD0000000  }
0x3: {  	_ = 	snop  }
0x4: {  	_ = 	snop  }
0x5: {  	_ = 	snop  }
0x6: {  	_ = 	snop  }
0x7: {  	_ = 	snop  }
__scs_overlays_trampoline_lowered:
0x8: {  	[smem:$0x3FA9] =	sst s0  }
0x9: {  	[smem:$0x3FAA] =	sst s1  }
0xa: {  	[smem:$0x3FAB] =	sst s2  }
0xb: {  	[smem:$0x3FAC] =	sst s3  }
0xc: {  	[smem:$0x3FAD] =	sst s4  }
0xd: {  	[smem:$0x3FAE] =	sst s5  }
0xe: {  	[smem:$0x3FAF] =	sst s6  }
0xf: {  	[smem:$0x3FB0] =	sst s7  }
0x10: {  	[smem:$0x3FB1] =	sst s8  }
0x11: {  	[smem:$0x3FB2] =	sst s9;
	s0 =	simm.s32 @!p0 $0x0  }
0x12: {  	s1 =	sld [smem:$0x3F98];
	s0 =	simm.s32 @p0 $0x1  }
0x13: {  	[smem:$0x3FB3] =	sst s0;
	s0 =	simm.s32 @!p1 $0x0  }
0x14: {  	s2 =	sld [smem:$0x3F97];
	s0 =	simm.s32 @p1 $0x1  }
0x15: {  	[smem:$0x3FB4] =	sst s0;
	s0 =	simm.s32 @!p2 $0x0  }
0x16: {  	s3 =	sld [smem:$0x3FDB];
	s0 =	simm.s32 @p2 $0x1  }
0x17: {  	s4 =	simm.s32 $0x1BF5;
	[smem:$0x3FB6] =	sst s0  }
0x18: {  	s0 =	sld [smem:$0x3F99];
	_ =	swait.ge [sflag:s4], $0x0  }
0x19: {  	s7 =	sld [smem:$0x3F9A]  }
0x1a: {  	s8 =	sadd.s32 $0xFFFFE003, lr  }
0x1b: {  	s9 =	sadd.s32 $0xFFFFFEF7, lr;
	s5 =	simm.s32 $0xFFFFFFFF;
	p2 =	slt.u32 s8, $0xFFFFF086  }
0x1c: {  	p1 =	slt.u32 s9, $0xF7A;
	s5 =	simm.s32 @!p2 $0x0  }
0x1d: {  	s5 =	simm.s32 @p1 $0x1;
	p0 =	seq.s32 s7, s2  }
0x1e: {  	s7 =	smul.u32 @!p0 $0xF7A, s2;
	p2 =	seq.s32 @!p0 s5, $0x0  }
0x1f: {  	s9 =	smul.u32 $0xF7A, s1;
	s8 =	simm.s32 @!p0 $0x1BF5;
	p2 =	por !p2, p0  }
0x20: {  	[sflag:s8] =	ssyncset.s32 @!p0 $0xFFFFF086;
	s6 =	sadd.s32 @!p0 s3, s7;
	s7 =	simm.s32 @!p0 $0x108  }
0x21: {  	s3 =	sadd.s32 s3, s9;
	s6 =	sadd.s32 @!p0 $0x88, s6;
	s7 =	simm.s32 @p2 $0x1082  }
0x22: {  	[simem:s7], [sflag:s8] =	dma.local @!p0 [hbm:s6], $0xF7A  }
0x23: {  	s9 =	sor.u32 $0xD0000000, s2;
	s6 =	simm.s32 $0x108;
	_ =	swait.ge @!p0 [sflag:s8], $0x0  }
0x24: {  	s3 =	sadd.s32 $0x88, s3;
	s6 =	simm.s32 @!p1 $0x1082;
	[sflag:s4] =	ssyncset.s32 $0xFFFFF086  }
0x25: {  	[simem:s6], [sflag:s4] =	dma.local [hbm:s3], $0xF7A  }
0x26: {  	[smem:$0x3F9A] =	sst s1;
	(tag) =	ssettag s2;
	_ =	strace s9  }
0x27: {  	s1 =	sld [smem:$0x3FAA]  }
0x28: {  	s2 =	sld [smem:$0x3FAB]  }
0x29: {  	s4 =	sld [smem:$0x3FAD]  }
0x2a: {  	p0 =	seq.s32 s5, $0x0;
	s5 =	sld [smem:$0x3FAE]  }
0x2b: {  	s6 =	sld [smem:$0x3FAF]  }
0x2c: {  	s7 =	sld [smem:$0x3FB0]  }
0x2d: {  	s3 =	simm.s32 $0x108;
	s8 =	sld [smem:$0x3FB1]  }
0x2e: {  	s3 =	simm.s32 @!p0 $0x1082;
	s9 =	sld [smem:$0x3FB2]  }
0x2f: {  	lr =	sadd.s32 s0, s3;
	s0 =	sld [smem:$0x3FA9]  }
0x30: {  	s3 =	sld [smem:$0x3FAC]  }
0x31: {  	[smem:$0x3FB5] =	sst s10  }
0x32: {  	s10 =	sld [smem:$0x3FB3];
	_ =	sdelay $0x3  }
0x33: {  	p0 =	seq.s32 s10, $0x1;
	s10 =	sld [smem:$0x3FB5];
	_ =	sdelay $0x3  }
0x34: {  	[smem:$0x3FB5] =	sst s10  }
0x35: {  	s10 =	sld [smem:$0x3FB4];
	_ =	sdelay $0x3  }
0x36: {  	p1 =	seq.s32 s10, $0x1;
	s10 =	sld [smem:$0x3FB5];
	_ =	sdelay $0x3  }
0x37: {  	[smem:$0x3FB5] =	sst s10  }
0x38: {  	s10 =	sld [smem:$0x3FB6]  }
0x39: {  	_ = 	snop;
	(pc) =	sbr.ind lr, $3  }
0x3a: {  	_ = 	snop  }
0x3b: {  	_ = 	snop  }
0x3c: {  	p2 =	seq.s32 s10, $0x1;
	s10 =	sld [smem:$0x3FB5]  }
0x3d: {  	_ =	shalt  }
0x3e: {  	_ =	shalt  }
0x3f: {  	_ =	shalt  }
0x40: {  	_ =	shalt  }
0x41: {  	_ =	shalt  }
0x42: {  	_ =	shalt  }
0x43: {  	_ =	shalt  }
0x44: {  	_ =	shalt  }
0x45: {  	_ =	shalt  }
0x46: {  	_ =	shalt  }
0x47: {  	_ =	shalt  }
0x48: {  	_ =	shalt  }
0x49: {  	_ =	shalt  }
0x4a: {  	_ =	shalt  }
0x4b: {  	_ =	shalt  }
0x4c: {  	_ =	shalt  }
0x4d: {  	_ =	shalt  }
0x4e: {  	_ =	shalt  }
0x4f: {  	_ =	shalt  }
0x50: {  	_ =	shalt  }
0x51: {  	_ =	shalt  }
0x52: {  	_ =	shalt  }
0x53: {  	_ =	shalt  }
0x54: {  	_ =	shalt  }
0x55: {  	_ =	shalt  }
0x56: {  	_ =	shalt  }
0x57: {  	_ =	shalt  }
0x58: {  	_ =	shalt  }
0x59: {  	_ =	shalt  }
0x5a: {  	_ =	shalt  }
0x5b: {  	_ =	shalt  }
0x5c: {  	_ =	shalt  }
0x5d: {  	_ =	shalt  }
0x5e: {  	_ =	shalt  }
0x5f: {  	_ =	shalt  }
0x60: {  	_ =	shalt  }
0x61: {  	_ =	shalt  }
0x62: {  	_ =	shalt  }
0x63: {  	_ =	shalt  }
0x64: {  	_ =	shalt  }
0x65: {  	_ =	shalt  }
0x66: {  	_ =	shalt  }
0x67: {  	_ =	shalt  }
0x68: {  	_ =	shalt  }
0x69: {  	_ =	shalt  }
0x6a: {  	_ =	shalt  }
0x6b: {  	_ =	shalt  }
0x6c: {  	_ =	shalt  }
0x6d: {  	_ =	shalt  }
0x6e: {  	_ =	shalt  }
0x6f: {  	_ =	shalt  }
0x70: {  	_ =	shalt  }
0x71: {  	_ =	shalt  }
0x72: {  	_ =	shalt  }
0x73: {  	_ =	shalt  }
0x74: {  	_ =	shalt  }
0x75: {  	_ =	shalt  }
0x76: {  	_ =	shalt  }
0x77: {  	_ =	shalt  }
0x78: {  	_ =	shalt  }
0x79: {  	_ =	shalt  }
0x7a: {  	_ =	shalt  }
0x7b: {  	_ =	shalt  }
0x7c: {  	_ =	shalt  }
0x7d: {  	_ =	shalt  }
0x7e: {  	_ =	shalt  }
0x7f: {  	_ =	shalt  }
0x80: {  	_ =	shalt  }
0x81: {  	_ =	shalt  }
0x82: {  	_ =	shalt  }
0x83: {  	_ =	shalt  }
0x84: {  	_ =	shalt  }
0x85: {  	_ =	shalt  }
0x86: {  	_ =	shalt  }
0x87: {  	_ =	shalt  }
.Lfunc_end0:
.L_simem_size_0:
called_computation.1_lowered:
.L_overlay_start_0:
0x88: {  	s2 =	sld [smem:$0x3FD9]  }
0x89: {  	s3 =	sld [smem:$0x3FFE];
	_ =	sdelay $0x1  }
0x8a: {  	s1 =	srdreg.scid  }
0x8b: {  	s0 =	sand.u32 $0x1, s1  }
0x8c: {  	s16 =	sshll.u32 s0, $0xA;
	s2 =	sadd.s32 s3, s2  }
0x8d: {  	s2 =	sadd.s32 s2, s16  }
0x8e: {  	[smem:$0x3FC1] =	sst s2  }
0x8f: {  	_ = 	snop  }
0x90: {  	(tm) =	ssettm $0x1  }
0x91: {  	s17 =	sld [smem:$0x3FFB];
	_ =	sdelay $0x3  }
0x92: {  	_ =	strace s17  }
0x93: {  	s2 =	sld [smem:$0x3FFC];
	_ =	sdelay $0x3  }
0x94: {  	_ =	strace s2  }
0x95: {  	s2 =	sld [smem:$0x3FFD];
	_ =	sdelay $0x3  }
0x96: {  	_ =	strace s2  }
0x97: {  	_ =	strace $0x8FFFFFFF  }
0x98: {  	s18 =	sld [smem:$0x3FDB];
	_ =	sdelay $0x1  }
0x99: {  	s19 =	simm.s32 $_scs_section_size  }
0x9a: {  	s4 =	simm.s32 $_size__tile_overlayer_lowered;
	s5 =	simm.s32 $_tile_overlayer_lowered  }
0x9b: {  	s22 =	simm.s32 $0x1BFF;
	s21 =	sshll.u32 s5, $0x1;
	s2 =	sadd.s32 s19, s18  }
0x9c: {  	s6 =	simm.s32 $0x0;
	s20 =	sshll.u32 s4, $0x1;
	s4 =	sadd.s32 s21, s2  }
0x9d: {  	[timem:s6], [sflag:s22] =	dma.local [hbm:s4], s20  }
0x9e: {  	_ =	swait.ge [sflag:s22], s20  }
0x9f: {  	s3 =	ssub.s32 $0x0, s20;
	[sflag:s22] =	ssyncset.done $0x0  }
0xa0: {  	[sflag:s22] =	ssyncadd.s32 s3;
	_ =	sdelay $0x1  }
0xa1: {  	s23 =	simm.s32 $0x1B8B  }
0xa2: {  	_ =	swait.ge [sflag:s23], $0x1  }
0xa3: {  	[sflag:s23] =	ssyncset.done $0x0  }
0xa4: {  	s25 =	simm.s32 $0x1B8E;
	s24 =	sld [smem:$0x3FFE];
	[sflag:s23] =	ssyncadd.s32 $0xFFFFFFFF  }
0xa5: {  	s26 =	simm.s32 $execute0_lowered;
	[smem:$0x3FD2] =	sst s25  }
0xa6: {  	s4 =	sshll.u32 s26, $0x1;
	_ =	strace $0x80000049;
	[dreg:$0x1] =	wrdreg $0xFFFFFFFF  }
0xa7: {  	s28 =	simm.s32 $_size_execute0_lowered;
	s2 =	sadd.s32 s2, s4;
	[dreg:$0x0] =	wrdreg $0x0  }
0xa8: {  	s4 =	sshll.u32 s28, $0x1;
	[dreg:$0x2] =	wrdreg s2  }
0xa9: {  	[dreg:$0x3] =	wrdreg s4  }
0xaa: {  	[dreg:$0x4] =	wrdreg $0xC0  }
0xab: {  	_ =	task [dreg:s6], $0x5FFFF  }
0xac: {  	[dreg:$0x1] =	wrdreg $0xFFFFFFFF  }
0xad: {  	[dreg:$0x0] =	wrdreg $0x60  }
0xae: {  	[dreg:$0x2] =	wrdreg s24  }
0xaf: {  	[dreg:$0x3] =	wrdreg $0x9  }
0xb0: {  	_ =	task.clear_ibuf [dreg:s6], $0x4FFFF;
	_ =	strace $0x90000049  }
0xb1: {  	s29 =	simm.s32 $0x9;
	_ =	strace $0x8000004B  }
0xb2: {  	_ =	swait.ge [sflag:s29], $0x1  }
0xb3: {  	[sflag:s29] =	ssyncadd.s32 $0xFFFFFFFF  }
0xb4: {  	_ =	strace $0x9000004B  }
0xb5: {  	_ =	sfence  }
0xb6: {  	s30 =	sld [smem:$0x0];
	_ =	sdelay $0x2  }
0xb7: {  	s31 =	sshll.u32 s1, $0xD;
	s1 =	sshrl.u32 s1, $0x2  }
0xb8: {  	s3 =	sand.u32 $0x4000, s31;
	s1 =	sadd.s32 s1, s30  }
0xb9: {  	s0 =	sor.u32 s3, s0;
	s1 =	sshll.u32 s1, $0x11  }
0xba: {  	s0 =	sor.u32 s1, s0  }
0xbb: {  	s0 =	sadd.s32 $0x8F2B, s0  }
0xbc: {  	[sflag:s0] =	ssyncadd.remote.s32 $0x1  }
0xbd: {  	_ =	sfence.sel $0xFFFF  }
0xbe: {  	[dreg:$0x0] =	wrdreg $0xFFFFFFFF;
	(pc) =	sbr.abs _section_cstart, $3  }
0xbf: {  	[dreg:$0x1] =	wrdreg $0xFFFFFFFF  }
0xc0: {  	_ =	task.clear_ibuf [dreg:s6], $0x2FFFF;
	_ =	strace $0x9FFFFFFF  }
0xc1: {  	(tm) =	ssettm $0x7FFFFFFF  }
tec
execute0_lowered:
.L_overlay_start_1:
0x0: {  	(tag) =	ssettag $0x1  }
0x1: {  	s1 =	srdreg.scid  }
0x2: {  	s0 =	stileid.u32;
	s9 =	rddreg [dreg:$0x0];
	s6 =	sand.u32 $0x1, s1  }
0x3: {  	s7 =	simm.s32 $0x80;
	s30 =	sshll.u32 s0, $0x7;
	s2 =	sshll.u32 s6, $0x6  }
0x4: {  	s8 =	simm.s32 $0x1;
	s1 =	rddreg [dreg:$0x1];
	s10 =	sor.u32 s2, s30  }
0x5: {  	s5 =	sadd.s32 $0x101200, s9;
	s2 =	simm.s32 $0x0;
	s3 =	sshrl.u32 s10, $0x3  }
0x6: {  	s11 =	ssub.s32 $0x2, s6;
	[smem:$0x7FF] =	sst s2;
	s3 =	sadd.s32 s3, s9  }
0x7: {  	_ =	strace $0x8000004A;
	s4 =	sadd.s32 $0xA00, s3;
	s3 =	simm.s32 $0x2  }
0x8: {  	[tilespmem:s2], [sflag:$0x2] =	stream.linear.gather [hbm4b:s4+s2], $0x40, $0x38;
	[tilespmem:$0x2080] =	vst v63  }
0x9: {  	s6 =	simm.s32 $0x40;
	s12 =	sshrl.u32 s11, $0x1;
	_ =	swait.ge [sflag:s3], $0x40  }
0xa: {  	s10 =	sshll.u32 s10, $0x4;
	s31 =	ssub.s32 s11, s12;
	[sflag:s3] =	ssyncset.done $0x0  }
0xb: {  	s9 =	sadd.s32 s10, s9;
	s10 =	smax.u32 s31, $0x1;
	[sflag:s3] =	ssyncadd.s32 $0xFFFFFFC0  }
0xc: {  	[tilespmem:s7], [sflag:$0x1] =	stream.indirect.gather [hbm4b:s5+s6], $0x80, s2, s6, $0xb8;
	[tilespmem:$0x2080] =	vst v63  }
0xd: {  	p0 =	sne.s32 s10, $0x1;
	_ =	swait.ge [sflag:s8], $0x2000  }
.Ltmp0:
0xe: {  	[sflag:s8] =	ssyncset.done $0x0;
	(pc) =	sbr.rel @!p0 .LBB2_2-.Ltmp0, $4  }
0xf: {  	s9 =	sadd.s32 $0xC00, s9;
	[sflag:s8] =	ssyncadd.s32 $0xFFFFE000  }
0x10: {  	[hbm4b:s9+s2] =	stream.linear.scatter [tilespmem:s7], [sflag:$0x2], $0x2000, $0x38;
	[tilespmem:$0x2080] =	vst v63  }
0x11: {  	_ =	swait.ge [sflag:s3], $0x2000  }
0x12: {  	s10 =	sadd.s32 $0xFFFFFFFF, s10;
	[sflag:s3] =	ssyncset.done $0x0  }
.LBB2_1:
0x13: {  	p0 =	sne.s32 s10, $0x1;
	s10 =	sadd.s32 $0xFFFFFFFF, s10;
	[sflag:s3] =	ssyncadd.s32 $0xFFFFE000  }
0x14: {  	[tilespmem:s2], [sflag:$0x2] =	stream.linear.gather [hbm4b:s4+s2], $0x40, $0x38;
	[tilespmem:$0x2080] =	vst v63  }
0x15: {  	_ =	swait.ge [sflag:s3], $0x40  }
0x16: {  	[sflag:s3] =	ssyncset.done $0x0  }
0x17: {  	[sflag:s3] =	ssyncadd.s32 $0xFFFFFFC0  }
0x18: {  	[tilespmem:s7], [sflag:$0x1] =	stream.indirect.gather [hbm4b:s5+s6], $0x80, s2, s6, $0xb8;
	[tilespmem:$0x2080] =	vst v63  }
0x19: {  	_ =	swait.ge [sflag:s8], $0x2000  }
.Ltmp1:
0x1a: {  	[sflag:s8] =	ssyncset.done $0x0;
	(pc) =	sbr.rel @p0 .LBB2_1-.Ltmp1, $4  }
0x1b: {  	[sflag:s8] =	ssyncadd.s32 $0xFFFFE000  }
0x1c: {  	[hbm4b:s9+s2] =	stream.linear.scatter [tilespmem:s7], [sflag:$0x2], $0x2000, $0x38;
	[tilespmem:$0x2080] =	vst v63  }
0x1d: {  	_ =	swait.ge [sflag:s3], $0x2000  }
0x1e: {  	[sflag:s3] =	ssyncset.done $0x0  }
.LBB2_2:
0x1f: {  	[sflag:s3] =	ssyncadd.s32 $0xFFFFE000  }
0x20: {  	_ =	sfence.sel $0x180000  }
0x21: {  	[bflag:$0x0] =	sbarrier.arrive $0xFFFF  }
0x22: {  	p0 =	sne.s32 s0, $0x0;
	_ =	strace $0x9000004A  }
0x23: {  	s0 =	sadd.s32 @!p0 $0x100000, s1;
	[bflag:$0x2] =	sbarrier.arrive $0xFFFF  }
0x24: {  	[sflag:s0] =	ssyncadd.tile.s32 @!p0 $0x1;
	_ =	shalt  }
.Lfunc_end2:
_tile_overlayer_lowered:
.L_overlay_start_2:
0x25: {  	(tag) =	ssettag $0x2  }
0x26: {  	s0 =	rddreg [dreg:$0x0];
	s2 =	stileid.u32  }
0x27: {  	s1 =	rddreg [dreg:$0x1];
	p0 =	sne.s32 s2, $0x0  }
0x28: {  	s3 =	rddreg [dreg:$0x2];
	[bflag:$0x3] =	sbarrier.arrive $0xFFFF;
	s2 =	simm.s32 @!p0 $0x1C02  }
0x29: {  	[timem:s3], [sflag:s2] =	dma.local @!p0 [hbm:s0], s1  }
0x2a: {  	s0 =	simm.s32 @!p0 $0x2  }
0x2b: {  	_ =	swait.ge @!p0 [sflag:s0], s1  }
0x2c: {  	s1 =	ssub.s32 @!p0 $0x0, s1;
	[sflag:s0] =	ssyncset.done @!p0 $0x0  }
0x2d: {  	[sflag:s0] =	ssyncadd.s32 @!p0 s1  }
0x2e: {  	[bflag:$0x3] =	sbarrier.arrive $0xFFFF  }
0x2f: {  	_ =	shalt  }

</sc_bundles>
